<compile_context>
chip_gen: v7x
topology: tpu7x:2x2x1
jax: 0.10.2.dev20260603
libtpu: 0.0.44.dev20260713+nightly
codegen_flags: <defaults>
</compile_context>

<pallas_src>
import functools

import jax
import jax.numpy as jnp
from jax import lax
from jax.experimental import pallas as pl
from jax.experimental.pallas import tpu as pltpu
from jax.experimental.pallas import tpu_sc as plsc

MIN_NORM = 1e-15
PROJ_EPS = 4e-3
MAXNORM = 1.0 - PROJ_EPS

NC = 2
NT = 16
BATCH = 128


def _artanh(v):
    v = jnp.clip(v, -1.0 + 1e-7, 1.0 - 1e-7)
    return 0.5 * jnp.log((1.0 + v) / (1.0 - v))


def _row_norm(v):
    return jnp.maximum(jnp.sqrt(jnp.sum(v * v, axis=1, keepdims=True)), MIN_NORM)


def _proj(v):
    n = _row_norm(v)
    return jnp.where(n > MAXNORM, v / n * MAXNORM, v)


def _expmap0(u):
    un = _row_norm(u)
    return jnp.tanh(un) * u / un


def _logmap0(p):
    pn = _row_norm(p)
    return _artanh(pn) * p / pn


def _proj_scale(norm_raw):
    return jnp.where(
        norm_raw > MAXNORM, MAXNORM / jnp.maximum(norm_raw, MIN_NORM), 1.0
    )


def _stage1_body(x_ref, w_ref, b_ref, out_ref):
    xb = x_ref[...]
    xn = jnp.maximum(
        jnp.sqrt(jnp.sum(xb * xb, axis=1, keepdims=True)), MIN_NORM
    )
    mx = lax.dot_general(
        xb, w_ref[...], (((1,), (1,)), ((), ())),
        preferred_element_type=jnp.float32,
    )
    m2 = jnp.sum(mx * mx, axis=1, keepdims=True)
    mn_raw = jnp.sqrt(m2)
    mn = jnp.maximum(mn_raw, MIN_NORM)
    rc = jnp.tanh(mn / xn * _artanh(xn)) / mn
    rn_raw = rc * mn_raw
    rc2 = rc * _proj_scale(rn_raw)
    rn = rn_raw * _proj_scale(rn_raw)
    half = mx.shape[1] // 2
    bb = b_ref[...]
    b2s = jnp.sum(bb * bb)

    @pl.when(b2s == 0.0)
    def _zero_bias():
        pnz = jnp.maximum(rn, MIN_NORM)
        xtz = mx * (rc2 * (_artanh(pnz) / pnz))
        out_ref[0] = xtz[:, :half]
        out_ref[1] = xtz[:, half:]

    @pl.when(b2s != 0.0)
    def _full_bias():
        bn = jnp.maximum(
            jnp.sqrt(jnp.sum(bb * bb, axis=1, keepdims=True)), MIN_NORM
        )
        hb = jnp.tanh(bn) * bb / bn
        hbn_raw = jnp.sqrt(jnp.sum(hb * hb, axis=1, keepdims=True))
        hb2 = hb * _proj_scale(hbn_raw)
        y2 = jnp.sum(hb2 * hb2, axis=1, keepdims=True)
        xy = rc2 * jnp.sum(mx * hb2, axis=1, keepdims=True)
        x2 = rn * rn
        den = jnp.maximum(1.0 + 2.0 * xy + x2 * y2, MIN_NORM)
        num = ((1.0 + 2.0 * xy + y2) * rc2) * mx + (1.0 - x2) * hb2
        q_raw = jnp.sqrt(jnp.sum(num * num, axis=1, keepdims=True)) / den
        p2 = _proj_scale(q_raw)
        pn = jnp.maximum(q_raw * p2, MIN_NORM)
        xt = num * ((p2 / den) * (_artanh(pn) / pn))
        out_ref[0] = xt[:, :half]
        out_ref[1] = xt[:, half:]


def _stage3_body(lo_ref, hi_ref, out_ref):
    u = jnp.concatenate([lo_ref[...], hi_ref[...]], axis=1)
    u2 = jnp.sum(u * u, axis=1, keepdims=True)
    un_raw = jnp.sqrt(u2)
    un = jnp.maximum(un_raw, MIN_NORM)
    a = jnp.tanh(un) / un
    hn_raw = a * un_raw
    a2 = a * _proj_scale(hn_raw)
    hn = jnp.maximum(hn_raw * _proj_scale(hn_raw), MIN_NORM)
    g = a2 * (_artanh(hn) / hn)
    v = jnp.maximum(u, 0.0)
    vn_raw = jnp.sqrt(jnp.sum(v * v, axis=1, keepdims=True)) * g
    vn = jnp.maximum(vn_raw, MIN_NORM)
    f = jnp.tanh(vn) / vn
    h2_raw = f * vn_raw
    out_ref[...] = v * (g * f * _proj_scale(h2_raw))


def _make_scatter_kernel(n, half, rpt, acc_rows):
    mesh = plsc.VectorSubcoreMesh(
        core_axis_name="c", subcore_axis_name="s", num_cores=NC, num_subcores=NT
    )
    zrows = acc_rows // NT
    wrows = zrows
    last_rows = n - (NT - 1) * wrows
    assert 0 < last_rows <= wrows and last_rows % 8 == 0

    @functools.partial(
        pl.kernel,
        out_type=jax.ShapeDtypeStruct((NC * n, half), jnp.float32),
        mesh=mesh,
        scratch_types=[
            pltpu.VMEM((rpt // 2, BATCH), jnp.int32),
            pltpu.VMEM((rpt // 2, BATCH), jnp.int32),
            pltpu.VMEM((BATCH, half), jnp.float32),
            pltpu.VMEM((BATCH, half), jnp.float32),
            pltpu.VMEM_SHARED((acc_rows, half), jnp.float32),
            pltpu.SemaphoreType.DMA,
            pltpu.SemaphoreType.DMA,
        ],
    )
    def scatter_k(table_hbm, eip_hbm, eip_hi_hbm, zeros_hbm, out_hbm,
                  src_v, dst_v, buf0, buf1, acc_sh, sem0, sem1):
        c = lax.axis_index("c")
        s = lax.axis_index("s")
        zcopy = pltpu.async_copy(zeros_hbm, acc_sh.at[pl.ds(s * zrows, zrows)], sem0)

        nb = rpt // 2
        for phase in range(2):
            @pl.when(c == 0)
            def _load_lo():
                pltpu.sync_copy(
                    eip_hbm.at[pl.ds(s * 2 * rpt + phase * nb, nb)], src_v
                )

            @pl.when(c == 1)
            def _load_hi():
                pltpu.sync_copy(
                    eip_hi_hbm.at[pl.ds(s * 2 * rpt + phase * nb, nb)], src_v
                )

            pltpu.sync_copy(
                eip_hbm.at[pl.ds(s * 2 * rpt + rpt + phase * nb, nb)], dst_v
            )
            if phase == 0:
                zcopy.wait()
                plsc.subcore_barrier()
            pltpu.async_copy(table_hbm.at[src_v.at[0]], buf0, sem0)

            @pl.loop(0, nb, step=2)
            def _edge_block(j):
                pltpu.async_copy(table_hbm.at[src_v.at[j + 1]], buf1, sem1)
                pltpu.make_async_copy(table_hbm.at[src_v.at[j]], buf0, sem0).wait()
                pltpu.sync_copy(buf0, acc_sh.at[dst_v.at[j]], add=True)

                @pl.when(j + 2 < nb)
                def _next():
                    pltpu.async_copy(table_hbm.at[src_v.at[j + 2]], buf0, sem0)

                pltpu.make_async_copy(table_hbm.at[src_v.at[j + 1]], buf1, sem1).wait()
                pltpu.sync_copy(buf1, acc_sh.at[dst_v.at[j + 1]], add=True)

        plsc.subcore_barrier()

        @pl.when(s < NT - 1)
        def _wb_full():
            pltpu.sync_copy(
                acc_sh.at[pl.ds(s * wrows, wrows)],
                out_hbm.at[pl.ds(c * n + s * wrows, wrows)],
            )

        @pl.when(s == NT - 1)
        def _wb_last():
            pltpu.sync_copy(
                acc_sh.at[pl.ds((NT - 1) * wrows, last_rows)],
                out_hbm.at[pl.ds(c * n + (NT - 1) * wrows, last_rows)],
            )

    return scatter_k


def kernel(x, edge_index, W, b):
    n, d = x.shape
    half = d // 2
    e = edge_index.shape[1]
    assert e % BATCH == 0
    nbatch = e // BATCH
    rpt = -(-nbatch // NT)
    rpt = -(-rpt // 4) * 4
    nbatch_pad = rpt * NT
    acc_rows = -(-(n + 1) // 128) * 128

    ei3 = jnp.swapaxes(
        edge_index.astype(jnp.int32).reshape(2, nbatch, BATCH), 0, 1
    )
    padn = nbatch_pad - nbatch
    fillb = jnp.arange(padn * BATCH, dtype=jnp.int32)
    pad3 = jnp.stack(
        [
            (fillb % n).reshape(padn, BATCH),
            n + (fillb % (acc_rows - n)).reshape(padn, BATCH),
        ],
        axis=1,
    )
    eip = (
        jnp.concatenate([ei3, pad3], axis=0)
        .reshape(NT, rpt, 2, BATCH)
        .transpose(0, 2, 1, 3)
        .reshape(2 * nbatch_pad, BATCH)
    )

    r1 = 2000
    xt2 = pl.pallas_call(
        _stage1_body,
        grid=(n // r1,),
        in_specs=[
            pl.BlockSpec((r1, d), lambda i: (i, 0)),
            pl.BlockSpec((d, d), lambda i: (0, 0)),
            pl.BlockSpec((1, d), lambda i: (0, 0)),
        ],
        out_specs=pl.BlockSpec((2, r1, half), lambda i: (0, i, 0)),
        out_shape=jax.ShapeDtypeStruct((2, n, half), jnp.float32),
    )(x, W, b.reshape(1, -1))
    table = xt2.reshape(2 * n, half)

    zeros = jnp.zeros((acc_rows // NT, half), jnp.float32)
    srcbias = jnp.tile(
        jnp.concatenate(
            [
                jnp.full((rpt, BATCH), n, jnp.int32),
                jnp.zeros((rpt, BATCH), jnp.int32),
            ]
        ),
        (NT, 1),
    )
    eip_hi = eip + srcbias
    sup = _make_scatter_kernel(n, half, rpt, acc_rows)(table, eip, eip_hi, zeros)

    r3 = 2000
    nb = n // r3
    out = pl.pallas_call(
        _stage3_body,
        grid=(nb,),
        in_specs=[
            pl.BlockSpec((r3, half), lambda i: (i, 0)),
            pl.BlockSpec((r3, half), lambda i: (i + nb, 0)),
        ],
        out_specs=pl.BlockSpec((r3, d), lambda i: (i, 0)),
        out_shape=jax.ShapeDtypeStruct((n, d), jnp.float32),
    )(sup, sup)
    return out

# --- scband reference (transcript-rebuilt; emitter-appended) ---
"""Pipeline reference for scband-hyperbolic-graph-convolution-47107201303153 (READ-ONLY COPY).

The authoritative reference and input builder live on the scoring server;
editing this copy changes nothing except your own understanding.
"""

import jax, jax.numpy as jnp
import numpy as np

MIN_NORM = 1e-15
PROJ_EPS = 4e-3  # float32 eps used by hgcn PoincareBall.proj
C_IN = 1.0
C_OUT = 1.0
N_NODES = 10000
D_IN = 256
D_OUT = 256
N_EDGES = 160000


def artanh(x):
    return jnp.arctanh(jnp.clip(x, -1.0 + 1e-7, 1.0 - 1e-7))


def proj(x, c):
    sqrt_c = c ** 0.5
    norm = jnp.clip(jnp.linalg.norm(x, axis=-1, keepdims=True), MIN_NORM)
    maxnorm = (1.0 - PROJ_EPS) / sqrt_c
    cond = norm > maxnorm
    projected = x / norm * maxnorm
    return jnp.where(cond, projected, x)


def expmap0(u, c):
    sqrt_c = c ** 0.5
    u_norm = jnp.clip(jnp.linalg.norm(u, axis=-1, keepdims=True), MIN_NORM)
    return jnp.tanh(sqrt_c * u_norm) * u / (sqrt_c * u_norm)


def logmap0(p, c):
    sqrt_c = c ** 0.5
    p_norm = jnp.clip(jnp.linalg.norm(p, axis=-1, keepdims=True), MIN_NORM)
    return artanh(sqrt_c * p_norm) * p / (sqrt_c * p_norm)


def mobius_add(x, y, c):
    x2 = jnp.sum(x * x, axis=-1, keepdims=True)
    y2 = jnp.sum(y * y, axis=-1, keepdims=True)
    xy = jnp.sum(x * y, axis=-1, keepdims=True)
    num = (1.0 + 2.0 * c * xy + c * y2) * x + (1.0 - c * x2) * y
    denom = 1.0 + 2.0 * c * xy + c * c * x2 * y2
    return num / jnp.clip(denom, MIN_NORM)


def mobius_matvec(m, x, c):
    sqrt_c = c ** 0.5
    x_norm = jnp.clip(jnp.linalg.norm(x, axis=-1, keepdims=True), MIN_NORM)
    mx = x @ m.T
    mx_norm = jnp.clip(jnp.linalg.norm(mx, axis=-1, keepdims=True), MIN_NORM)
    res_c = jnp.tanh(mx_norm / x_norm * artanh(sqrt_c * x_norm)) * mx / (mx_norm * sqrt_c)
    cond = jnp.all(mx == 0.0, axis=-1, keepdims=True)
    return jnp.where(cond, jnp.zeros_like(res_c), res_c)


def setup_inputs(seed: int = 0) -> dict:
    key = jax.random.key(seed)
    k1, k2, k3 = jax.random.split(key, 3)
    # points scaled to lie inside the Poincare ball (norm ~ 0.16)
    x = 0.01 * jax.random.normal(k1, (N_NODES, D_IN), dtype=jnp.float32)
    edge_index = jax.random.randint(k2, (2, N_EDGES), 0, N_NODES, dtype=jnp.int64)
    # xavier_uniform with gain sqrt(2)
    limit = np.sqrt(2.0) * np.sqrt(6.0 / (D_IN + D_OUT))
    W = jax.random.uniform(k3, (D_OUT, D_IN), minval=-limit, maxval=limit, dtype=jnp.float32)
    b = jnp.zeros((D_OUT,), dtype=jnp.float32)
    return {"x": x, "edge_index": edge_index, "W": W, "b": b}


def reference(x, edge_index, W, b):
    # HypLinearOld (dropout=0.0, eval)
    mv = mobius_matvec(W, x, C_IN)
    res = proj(mv, C_IN)
    bias = b.reshape(1, -1)  # proj_tan0 is identity for PoincareBall
    hyp_bias = proj(expmap0(bias, C_IN), C_IN)
    res = proj(mobius_add(res, hyp_bias, C_IN), C_IN)
    # HypAggOld: spmm(adj, x_tangent) with binary adjacency built from edge_index
    x_tangent = logmap0(res, C_IN)
    src = edge_index[0]
    dst = edge_index[1]
    support_t = jax.ops.segment_sum(x_tangent[src], dst, num_segments=N_NODES)
    h = proj(expmap0(support_t, C_IN), C_IN)
    # HypActOld with ReLU
    ht = jax.nn.relu(logmap0(h, C_IN))
    h = proj(expmap0(ht, C_OUT), C_OUT)
    return h

if __name__ == "__main__":
    import jax
    _d = setup_inputs()
    print(jax.jit(kernel)(*tuple(_d.values())))

</pallas_src>

<mosaic_0001>
#map = affine_map<(d0, d1) -> (0, 0)>
module attributes {stable_mosaic.version = 14 : i64} {
  func.func @scatter_k(%arg0: i32, %arg1: i32, %arg2: memref<20000x128xf32, #tpu.memory_space<hbm>>, %arg3: memref<2560x128xi32, #tpu.memory_space<hbm>>, %arg4: memref<2560x128xi32, #tpu.memory_space<hbm>>, %arg5: memref<632x128xf32, #tpu.memory_space<hbm>>, %arg6: memref<20000x128xf32, #tpu.memory_space<hbm>>, %arg7: memref<40x128xi32, #tpu.memory_space<vmem>>, %arg8: memref<40x128xi32, #tpu.memory_space<vmem>>, %arg9: memref<128x128xf32, #tpu.memory_space<vmem>>, %arg10: memref<128x128xf32, #tpu.memory_space<vmem>>, %arg11: memref<10112x128xf32, #tpu.memory_space<vmem_shared>>, %arg12: memref<!tpu.dma_semaphore, #tpu.memory_space<semaphore_mem>>, %arg13: memref<!tpu.dma_semaphore, #tpu.memory_space<semaphore_mem>>) attributes {dimension_semantics = [#tpu.dimension_semantics<core_parallel>, #tpu.dimension_semantics<subcore_parallel>], iteration_bounds = array<i64: 2, 16>, scalar_prefetch = 0 : i64, scratch_operands = 7 : i64, tpu.core_type = #tpu.core_type<sc_vector_subcore>, window_params = [{transform_indices = #map}, {transform_indices = #map}, {transform_indices = #map}, {transform_indices = #map}, {transform_indices = #map}]} {
    %mul3A = arith.constant 632 : i32
    %mul3A_0 = arith.muli %arg1, %mul3A : i32
    %dma_start3A = arith.constant 0 : i32
    %dma_start3A_1 = tpu.memref_slice %arg11[%mul3A_0, %dma_start3A] : memref<10112x128xf32, #tpu.memory_space<vmem_shared>> -> memref<632x128xf32, #tpu.memory_space<vmem_shared>>
    tpu.enqueue_dma source(%arg5 : memref<632x128xf32, #tpu.memory_space<hbm>>) target(%dma_start3A_1 : memref<632x128xf32, #tpu.memory_space<vmem_shared>>) target_semaphore(%arg12 : memref<!tpu.dma_semaphore, #tpu.memory_space<semaphore_mem>>)
    %eq3A = arith.constant 0 : i32
    %eq3A_2 = arith.cmpi eq, %arg0, %eq3A : i32
    %convert_element_type3A = arith.extui %eq3A_2 : i1 to i32
    %cond3A = arith.constant 0 : i32
    %cond3A_3 = arith.cmpi ne, %convert_element_type3A, %cond3A : i32
    scf.if %cond3A_3 {
      %mul3A_68 = arith.constant 2 : i32
      %mul3A_69 = arith.muli %arg1, %mul3A_68 : i32
      %mul3A_70 = arith.constant 80 : i32
      %mul3A_71 = arith.muli %mul3A_69, %mul3A_70 : i32
      %add3A_72 = arith.constant 0 : i32
      %add3A_73 = arith.addi %mul3A_71, %add3A_72 : i32
      "tpu.region"() ({
        %run_scoped3A = tpu.sem_alloc : memref<!tpu.dma_semaphore, #tpu.memory_space<semaphore_mem>>
        %dma_start3A_74 = arith.constant 0 : i32
        %dma_start3A_75 = tpu.memref_slice %arg3[%add3A_73, %dma_start3A_74] : memref<2560x128xi32, #tpu.memory_space<hbm>> -> memref<40x128xi32, #tpu.memory_space<hbm>>
        %dma_start3A_76 = arith.constant 0 : i32
        %dma_start3A_77 = tpu.memref_slice %arg3[%add3A_73, %dma_start3A_76] : memref<2560x128xi32, #tpu.memory_space<hbm>> -> memref<40x128xi32, #tpu.memory_space<hbm>>
        tpu.enqueue_dma source(%dma_start3A_77 : memref<40x128xi32, #tpu.memory_space<hbm>>) target(%arg7 : memref<40x128xi32, #tpu.memory_space<vmem>>) target_semaphore(%run_scoped3A : memref<!tpu.dma_semaphore, #tpu.memory_space<semaphore_mem>>)
        %dma_wait3A_78 = arith.constant 0 : i32
        %dma_wait3A_79 = tpu.memref_slice %arg3[%add3A_73, %dma_wait3A_78] : memref<2560x128xi32, #tpu.memory_space<hbm>> -> memref<40x128xi32, #tpu.memory_space<hbm>>
        %dma_wait3A_80 = arith.constant 0 : i32
        %dma_wait3A_81 = tpu.memref_slice %arg3[%add3A_73, %dma_wait3A_80] : memref<2560x128xi32, #tpu.memory_space<hbm>> -> memref<40x128xi32, #tpu.memory_space<hbm>>
        tpu.wait_dma2 semaphore(%run_scoped3A : memref<!tpu.dma_semaphore, #tpu.memory_space<semaphore_mem>>) src(%dma_wait3A_81 : memref<40x128xi32, #tpu.memory_space<hbm>>) dst(%arg7 : memref<40x128xi32, #tpu.memory_space<vmem>>)
        tpu.yield
      }) : () -> ()
    } else {
    }
    %eq3A_4 = arith.constant 1 : i32
    %eq3A_5 = arith.cmpi eq, %arg0, %eq3A_4 : i32
    %convert_element_type3A_6 = arith.extui %eq3A_5 : i1 to i32
    %cond3A_7 = arith.constant 0 : i32
    %cond3A_8 = arith.cmpi ne, %convert_element_type3A_6, %cond3A_7 : i32
    scf.if %cond3A_8 {
      %mul3A_68 = arith.constant 2 : i32
      %mul3A_69 = arith.muli %arg1, %mul3A_68 : i32
      %mul3A_70 = arith.constant 80 : i32
      %mul3A_71 = arith.muli %mul3A_69, %mul3A_70 : i32
      %add3A_72 = arith.constant 0 : i32
      %add3A_73 = arith.addi %mul3A_71, %add3A_72 : i32
      "tpu.region"() ({
        %run_scoped3A = tpu.sem_alloc : memref<!tpu.dma_semaphore, #tpu.memory_space<semaphore_mem>>
        %dma_start3A_74 = arith.constant 0 : i32
        %dma_start3A_75 = tpu.memref_slice %arg4[%add3A_73, %dma_start3A_74] : memref<2560x128xi32, #tpu.memory_space<hbm>> -> memref<40x128xi32, #tpu.memory_space<hbm>>
        %dma_start3A_76 = arith.constant 0 : i32
        %dma_start3A_77 = tpu.memref_slice %arg4[%add3A_73, %dma_start3A_76] : memref<2560x128xi32, #tpu.memory_space<hbm>> -> memref<40x128xi32, #tpu.memory_space<hbm>>
        tpu.enqueue_dma source(%dma_start3A_77 : memref<40x128xi32, #tpu.memory_space<hbm>>) target(%arg7 : memref<40x128xi32, #tpu.memory_space<vmem>>) target_semaphore(%run_scoped3A : memref<!tpu.dma_semaphore, #tpu.memory_space<semaphore_mem>>)
        %dma_wait3A_78 = arith.constant 0 : i32
        %dma_wait3A_79 = tpu.memref_slice %arg4[%add3A_73, %dma_wait3A_78] : memref<2560x128xi32, #tpu.memory_space<hbm>> -> memref<40x128xi32, #tpu.memory_space<hbm>>
        %dma_wait3A_80 = arith.constant 0 : i32
        %dma_wait3A_81 = tpu.memref_slice %arg4[%add3A_73, %dma_wait3A_80] : memref<2560x128xi32, #tpu.memory_space<hbm>> -> memref<40x128xi32, #tpu.memory_space<hbm>>
        tpu.wait_dma2 semaphore(%run_scoped3A : memref<!tpu.dma_semaphore, #tpu.memory_space<semaphore_mem>>) src(%dma_wait3A_81 : memref<40x128xi32, #tpu.memory_space<hbm>>) dst(%arg7 : memref<40x128xi32, #tpu.memory_space<vmem>>)
        tpu.yield
      }) : () -> ()
    } else {
    }
    %mul3A_9 = arith.constant 2 : i32
    %mul3A_10 = arith.muli %arg1, %mul3A_9 : i32
    %mul3A_11 = arith.constant 80 : i32
    %mul3A_12 = arith.muli %mul3A_10, %mul3A_11 : i32
    %add3A = arith.constant 80 : i32
    %add3A_13 = arith.addi %mul3A_12, %add3A : i32
    %add3A_14 = arith.constant 0 : i32
    %add3A_15 = arith.addi %add3A_13, %add3A_14 : i32
    "tpu.region"() ({
      %run_scoped3A = tpu.sem_alloc : memref<!tpu.dma_semaphore, #tpu.memory_space<semaphore_mem>>
      %dma_start3A_68 = arith.constant 0 : i32
      %dma_start3A_69 = tpu.memref_slice %arg3[%add3A_15, %dma_start3A_68] : memref<2560x128xi32, #tpu.memory_space<hbm>> -> memref<40x128xi32, #tpu.memory_space<hbm>>
      %dma_start3A_70 = arith.constant 0 : i32
      %dma_start3A_71 = tpu.memref_slice %arg3[%add3A_15, %dma_start3A_70] : memref<2560x128xi32, #tpu.memory_space<hbm>> -> memref<40x128xi32, #tpu.memory_space<hbm>>
      tpu.enqueue_dma source(%dma_start3A_71 : memref<40x128xi32, #tpu.memory_space<hbm>>) target(%arg8 : memref<40x128xi32, #tpu.memory_space<vmem>>) target_semaphore(%run_scoped3A : memref<!tpu.dma_semaphore, #tpu.memory_space<semaphore_mem>>)
      %dma_wait3A_72 = arith.constant 0 : i32
      %dma_wait3A_73 = tpu.memref_slice %arg3[%add3A_15, %dma_wait3A_72] : memref<2560x128xi32, #tpu.memory_space<hbm>> -> memref<40x128xi32, #tpu.memory_space<hbm>>
      %dma_wait3A_74 = arith.constant 0 : i32
      %dma_wait3A_75 = tpu.memref_slice %arg3[%add3A_15, %dma_wait3A_74] : memref<2560x128xi32, #tpu.memory_space<hbm>> -> memref<40x128xi32, #tpu.memory_space<hbm>>
      tpu.wait_dma2 semaphore(%run_scoped3A : memref<!tpu.dma_semaphore, #tpu.memory_space<semaphore_mem>>) src(%dma_wait3A_75 : memref<40x128xi32, #tpu.memory_space<hbm>>) dst(%arg8 : memref<40x128xi32, #tpu.memory_space<vmem>>)
      tpu.yield
    }) : () -> ()
    %dma_wait3A = arith.constant 0 : i32
    %dma_wait3A_16 = tpu.memref_slice %arg11[%mul3A_0, %dma_wait3A] : memref<10112x128xf32, #tpu.memory_space<vmem_shared>> -> memref<632x128xf32, #tpu.memory_space<vmem_shared>>
    tpu.wait_dma2 semaphore(%arg12 : memref<!tpu.dma_semaphore, #tpu.memory_space<semaphore_mem>>) src(%arg5 : memref<632x128xf32, #tpu.memory_space<hbm>>) dst(%dma_wait3A_16 : memref<632x128xf32, #tpu.memory_space<vmem_shared>>)
    %barrier3A = arith.constant 0 : index
    tpu.barrier barrier_id(%barrier3A)
    %dma_start3A_17 = arith.constant 0 : i32
    %dma_start3A_18 = arith.constant 0 : i32
    %dma_start3A_19 = tpu.memref_slice %arg7[%dma_start3A_17, %dma_start3A_18] : memref<40x128xi32, #tpu.memory_space<vmem>> -> memref<1x128xi32, #tpu.memory_space<vmem>>
    %dma_start3A_20 = tpu.memref_squeeze %dma_start3A_19 : memref<1x128xi32, #tpu.memory_space<vmem>> -> memref<128xi32, #tpu.memory_space<vmem>>
    %dma_start3A_21 = arith.constant 0 : i32
    %dma_start3A_22 = arith.constant 0 : i32
    %dma_start3A_23 = tpu.memref_slice %arg2[%dma_start3A_21, %dma_start3A_22] : memref<20000x128xf32, #tpu.memory_space<hbm>> -> memref<20000x128xf32, #tpu.memory_space<hbm>>
    tpu.enqueue_indirect_dma source(%dma_start3A_23 : memref<20000x128xf32, #tpu.memory_space<hbm>>) target(%arg9 : memref<128x128xf32, #tpu.memory_space<vmem>>) offsets(%dma_start3A_20 : memref<128xi32, #tpu.memory_space<vmem>>) semaphore(%arg12 : memref<!tpu.dma_semaphore, #tpu.memory_space<semaphore_mem>>)
    %scan3A = arith.constant 0 : i32
    %scan3A_24 = arith.constant 20 : i32
    %scan3A_25 = arith.addi %scan3A, %scan3A_24 : i32
    %scan3A_26 = arith.constant 1 : i32
    scf.for %scan3A_68 = %scan3A to %scan3A_25 step %scan3A_26  : i32 {
      %mul3A_69 = arith.constant 2 : i32
      %mul3A_70 = arith.muli %scan3A_68, %mul3A_69 : i32
      %add3A_71 = arith.constant 0 : i32
      %add3A_72 = arith.addi %add3A_71, %mul3A_70 : i32
      %add3A_73 = arith.constant 1 : i32
      %add3A_74 = arith.addi %add3A_72, %add3A_73 : i32
      %dma_start3A_75 = arith.constant 0 : i32
      %dma_start3A_76 = tpu.memref_slice %arg7[%add3A_74, %dma_start3A_75] : memref<40x128xi32, #tpu.memory_space<vmem>> -> memref<1x128xi32, #tpu.memory_space<vmem>>
      %dma_start3A_77 = tpu.memref_squeeze %dma_start3A_76 : memref<1x128xi32, #tpu.memory_space<vmem>> -> memref<128xi32, #tpu.memory_space<vmem>>
      %dma_start3A_78 = arith.constant 0 : i32
      %dma_start3A_79 = arith.constant 0 : i32
      %dma_start3A_80 = tpu.memref_slice %arg2[%dma_start3A_78, %dma_start3A_79] : memref<20000x128xf32, #tpu.memory_space<hbm>> -> memref<20000x128xf32, #tpu.memory_space<hbm>>
      tpu.enqueue_indirect_dma source(%dma_start3A_80 : memref<20000x128xf32, #tpu.memory_space<hbm>>) target(%arg10 : memref<128x128xf32, #tpu.memory_space<vmem>>) offsets(%dma_start3A_77 : memref<128xi32, #tpu.memory_space<vmem>>) semaphore(%arg13 : memref<!tpu.dma_semaphore, #tpu.memory_space<semaphore_mem>>)
      %dma_wait3A_81 = arith.constant 0 : i32
      %dma_wait3A_82 = tpu.memref_slice %arg7[%add3A_72, %dma_wait3A_81] : memref<40x128xi32, #tpu.memory_space<vmem>> -> memref<1x128xi32, #tpu.memory_space<vmem>>
      %dma_wait3A_83 = tpu.memref_squeeze %dma_wait3A_82 : memref<1x128xi32, #tpu.memory_space<vmem>> -> memref<128xi32, #tpu.memory_space<vmem>>
      %dma_wait3A_84 = arith.constant 0 : i32
      %dma_wait3A_85 = arith.constant 0 : i32
      %dma_wait3A_86 = tpu.memref_slice %arg2[%dma_wait3A_84, %dma_wait3A_85] : memref<20000x128xf32, #tpu.memory_space<hbm>> -> memref<20000x128xf32, #tpu.memory_space<hbm>>
      tpu.wait_indirect_dma semaphore(%arg12 : memref<!tpu.dma_semaphore, #tpu.memory_space<semaphore_mem>>) src(%dma_wait3A_86 : memref<20000x128xf32, #tpu.memory_space<hbm>>) dst(%arg9 : memref<128x128xf32, #tpu.memory_space<vmem>>)
      "tpu.region"() ({
        %run_scoped3A = tpu.sem_alloc : memref<!tpu.dma_semaphore, #tpu.memory_space<semaphore_mem>>
        %dma_start3A_104 = arith.constant 0 : i32
        %dma_start3A_105 = tpu.memref_slice %arg8[%add3A_72, %dma_start3A_104] : memref<40x128xi32, #tpu.memory_space<vmem>> -> memref<1x128xi32, #tpu.memory_space<vmem>>
        %dma_start3A_106 = tpu.memref_squeeze %dma_start3A_105 : memref<1x128xi32, #tpu.memory_space<vmem>> -> memref<128xi32, #tpu.memory_space<vmem>>
        %dma_start3A_107 = arith.constant 0 : i32
        %dma_start3A_108 = arith.constant 0 : i32
        %dma_start3A_109 = tpu.memref_slice %arg11[%dma_start3A_107, %dma_start3A_108] : memref<10112x128xf32, #tpu.memory_space<vmem_shared>> -> memref<10112x128xf32, #tpu.memory_space<vmem_shared>>
        tpu.enqueue_indirect_dma source(%arg9 : memref<128x128xf32, #tpu.memory_space<vmem>>) target(%dma_start3A_109 : memref<10112x128xf32, #tpu.memory_space<vmem_shared>>) offsets(%dma_start3A_106 : memref<128xi32, #tpu.memory_space<vmem>>) semaphore(%run_scoped3A : memref<!tpu.dma_semaphore, #tpu.memory_space<semaphore_mem>>) {add = true}
        %dma_wait3A_110 = arith.constant 0 : i32
        %dma_wait3A_111 = tpu.memref_slice %arg8[%add3A_72, %dma_wait3A_110] : memref<40x128xi32, #tpu.memory_space<vmem>> -> memref<1x128xi32, #tpu.memory_space<vmem>>
        %dma_wait3A_112 = tpu.memref_squeeze %dma_wait3A_111 : memref<1x128xi32, #tpu.memory_space<vmem>> -> memref<128xi32, #tpu.memory_space<vmem>>
        %dma_wait3A_113 = arith.constant 0 : i32
        %dma_wait3A_114 = arith.constant 0 : i32
        %dma_wait3A_115 = tpu.memref_slice %arg11[%dma_wait3A_113, %dma_wait3A_114] : memref<10112x128xf32, #tpu.memory_space<vmem_shared>> -> memref<10112x128xf32, #tpu.memory_space<vmem_shared>>
        tpu.wait_indirect_dma semaphore(%run_scoped3A : memref<!tpu.dma_semaphore, #tpu.memory_space<semaphore_mem>>) src(%arg9 : memref<128x128xf32, #tpu.memory_space<vmem>>) dst(%dma_wait3A_115 : memref<10112x128xf32, #tpu.memory_space<vmem_shared>>)
        tpu.yield
      }) : () -> ()
      %add3A_87 = arith.constant 2 : i32
      %add3A_88 = arith.addi %add3A_72, %add3A_87 : i32
      %lt3A_89 = arith.constant 40 : i32
      %lt3A_90 = arith.cmpi slt, %add3A_88, %lt3A_89 : i32
      %convert_element_type3A_91 = arith.extui %lt3A_90 : i1 to i32
      %cond3A_92 = arith.constant 0 : i32
      %cond3A_93 = arith.cmpi ne, %convert_element_type3A_91, %cond3A_92 : i32
      scf.if %cond3A_93 {
        %add3A_104 = arith.constant 2 : i32
        %add3A_105 = arith.addi %add3A_72, %add3A_104 : i32
        %dma_start3A_106 = arith.constant 0 : i32
        %dma_start3A_107 = tpu.memref_slice %arg7[%add3A_105, %dma_start3A_106] : memref<40x128xi32, #tpu.memory_space<vmem>> -> memref<1x128xi32, #tpu.memory_space<vmem>>
        %dma_start3A_108 = tpu.memref_squeeze %dma_start3A_107 : memref<1x128xi32, #tpu.memory_space<vmem>> -> memref<128xi32, #tpu.memory_space<vmem>>
        %dma_start3A_109 = arith.constant 0 : i32
        %dma_start3A_110 = arith.constant 0 : i32
        %dma_start3A_111 = tpu.memref_slice %arg2[%dma_start3A_109, %dma_start3A_110] : memref<20000x128xf32, #tpu.memory_space<hbm>> -> memref<20000x128xf32, #tpu.memory_space<hbm>>
        tpu.enqueue_indirect_dma source(%dma_start3A_111 : memref<20000x128xf32, #tpu.memory_space<hbm>>) target(%arg9 : memref<128x128xf32, #tpu.memory_space<vmem>>) offsets(%dma_start3A_108 : memref<128xi32, #tpu.memory_space<vmem>>) semaphore(%arg12 : memref<!tpu.dma_semaphore, #tpu.memory_space<semaphore_mem>>)
      } else {
      }
      %add3A_94 = arith.constant 1 : i32
      %add3A_95 = arith.addi %add3A_72, %add3A_94 : i32
      %dma_wait3A_96 = arith.constant 0 : i32
      %dma_wait3A_97 = tpu.memref_slice %arg7[%add3A_95, %dma_wait3A_96] : memref<40x128xi32, #tpu.memory_space<vmem>> -> memref<1x128xi32, #tpu.memory_space<vmem>>
      %dma_wait3A_98 = tpu.memref_squeeze %dma_wait3A_97 : memref<1x128xi32, #tpu.memory_space<vmem>> -> memref<128xi32, #tpu.memory_space<vmem>>
      %dma_wait3A_99 = arith.constant 0 : i32
      %dma_wait3A_100 = arith.constant 0 : i32
      %dma_wait3A_101 = tpu.memref_slice %arg2[%dma_wait3A_99, %dma_wait3A_100] : memref<20000x128xf32, #tpu.memory_space<hbm>> -> memref<20000x128xf32, #tpu.memory_space<hbm>>
      tpu.wait_indirect_dma semaphore(%arg13 : memref<!tpu.dma_semaphore, #tpu.memory_space<semaphore_mem>>) src(%dma_wait3A_101 : memref<20000x128xf32, #tpu.memory_space<hbm>>) dst(%arg10 : memref<128x128xf32, #tpu.memory_space<vmem>>)
      %add3A_102 = arith.constant 1 : i32
      %add3A_103 = arith.addi %add3A_72, %add3A_102 : i32
      "tpu.region"() ({
        %run_scoped3A = tpu.sem_alloc : memref<!tpu.dma_semaphore, #tpu.memory_space<semaphore_mem>>
        %dma_start3A_104 = arith.constant 0 : i32
        %dma_start3A_105 = tpu.memref_slice %arg8[%add3A_103, %dma_start3A_104] : memref<40x128xi32, #tpu.memory_space<vmem>> -> memref<1x128xi32, #tpu.memory_space<vmem>>
        %dma_start3A_106 = tpu.memref_squeeze %dma_start3A_105 : memref<1x128xi32, #tpu.memory_space<vmem>> -> memref<128xi32, #tpu.memory_space<vmem>>
        %dma_start3A_107 = arith.constant 0 : i32
        %dma_start3A_108 = arith.constant 0 : i32
        %dma_start3A_109 = tpu.memref_slice %arg11[%dma_start3A_107, %dma_start3A_108] : memref<10112x128xf32, #tpu.memory_space<vmem_shared>> -> memref<10112x128xf32, #tpu.memory_space<vmem_shared>>
        tpu.enqueue_indirect_dma source(%arg10 : memref<128x128xf32, #tpu.memory_space<vmem>>) target(%dma_start3A_109 : memref<10112x128xf32, #tpu.memory_space<vmem_shared>>) offsets(%dma_start3A_106 : memref<128xi32, #tpu.memory_space<vmem>>) semaphore(%run_scoped3A : memref<!tpu.dma_semaphore, #tpu.memory_space<semaphore_mem>>) {add = true}
        %dma_wait3A_110 = arith.constant 0 : i32
        %dma_wait3A_111 = tpu.memref_slice %arg8[%add3A_103, %dma_wait3A_110] : memref<40x128xi32, #tpu.memory_space<vmem>> -> memref<1x128xi32, #tpu.memory_space<vmem>>
        %dma_wait3A_112 = tpu.memref_squeeze %dma_wait3A_111 : memref<1x128xi32, #tpu.memory_space<vmem>> -> memref<128xi32, #tpu.memory_space<vmem>>
        %dma_wait3A_113 = arith.constant 0 : i32
        %dma_wait3A_114 = arith.constant 0 : i32
        %dma_wait3A_115 = tpu.memref_slice %arg11[%dma_wait3A_113, %dma_wait3A_114] : memref<10112x128xf32, #tpu.memory_space<vmem_shared>> -> memref<10112x128xf32, #tpu.memory_space<vmem_shared>>
        tpu.wait_indirect_dma semaphore(%run_scoped3A : memref<!tpu.dma_semaphore, #tpu.memory_space<semaphore_mem>>) src(%arg10 : memref<128x128xf32, #tpu.memory_space<vmem>>) dst(%dma_wait3A_115 : memref<10112x128xf32, #tpu.memory_space<vmem_shared>>)
        tpu.yield
      }) : () -> ()
    }
    %scan3A_27 = arith.constant 20 : i32
    %eq3A_28 = arith.constant 0 : i32
    %eq3A_29 = arith.cmpi eq, %arg0, %eq3A_28 : i32
    %convert_element_type3A_30 = arith.extui %eq3A_29 : i1 to i32
    %cond3A_31 = arith.constant 0 : i32
    %cond3A_32 = arith.cmpi ne, %convert_element_type3A_30, %cond3A_31 : i32
    scf.if %cond3A_32 {
      %mul3A_68 = arith.constant 2 : i32
      %mul3A_69 = arith.muli %arg1, %mul3A_68 : i32
      %mul3A_70 = arith.constant 80 : i32
      %mul3A_71 = arith.muli %mul3A_69, %mul3A_70 : i32
      %add3A_72 = arith.constant 40 : i32
      %add3A_73 = arith.addi %mul3A_71, %add3A_72 : i32
      "tpu.region"() ({
        %run_scoped3A = tpu.sem_alloc : memref<!tpu.dma_semaphore, #tpu.memory_space<semaphore_mem>>
        %dma_start3A_74 = arith.constant 0 : i32
        %dma_start3A_75 = tpu.memref_slice %arg3[%add3A_73, %dma_start3A_74] : memref<2560x128xi32, #tpu.memory_space<hbm>> -> memref<40x128xi32, #tpu.memory_space<hbm>>
        %dma_start3A_76 = arith.constant 0 : i32
        %dma_start3A_77 = tpu.memref_slice %arg3[%add3A_73, %dma_start3A_76] : memref<2560x128xi32, #tpu.memory_space<hbm>> -> memref<40x128xi32, #tpu.memory_space<hbm>>
        tpu.enqueue_dma source(%dma_start3A_77 : memref<40x128xi32, #tpu.memory_space<hbm>>) target(%arg7 : memref<40x128xi32, #tpu.memory_space<vmem>>) target_semaphore(%run_scoped3A : memref<!tpu.dma_semaphore, #tpu.memory_space<semaphore_mem>>)
        %dma_wait3A_78 = arith.constant 0 : i32
        %dma_wait3A_79 = tpu.memref_slice %arg3[%add3A_73, %dma_wait3A_78] : memref<2560x128xi32, #tpu.memory_space<hbm>> -> memref<40x128xi32, #tpu.memory_space<hbm>>
        %dma_wait3A_80 = arith.constant 0 : i32
        %dma_wait3A_81 = tpu.memref_slice %arg3[%add3A_73, %dma_wait3A_80] : memref<2560x128xi32, #tpu.memory_space<hbm>> -> memref<40x128xi32, #tpu.memory_space<hbm>>
        tpu.wait_dma2 semaphore(%run_scoped3A : memref<!tpu.dma_semaphore, #tpu.memory_space<semaphore_mem>>) src(%dma_wait3A_81 : memref<40x128xi32, #tpu.memory_space<hbm>>) dst(%arg7 : memref<40x128xi32, #tpu.memory_space<vmem>>)
        tpu.yield
      }) : () -> ()
    } else {
    }
    %eq3A_33 = arith.constant 1 : i32
    %eq3A_34 = arith.cmpi eq, %arg0, %eq3A_33 : i32
    %convert_element_type3A_35 = arith.extui %eq3A_34 : i1 to i32
    %cond3A_36 = arith.constant 0 : i32
    %cond3A_37 = arith.cmpi ne, %convert_element_type3A_35, %cond3A_36 : i32
    scf.if %cond3A_37 {
      %mul3A_68 = arith.constant 2 : i32
      %mul3A_69 = arith.muli %arg1, %mul3A_68 : i32
      %mul3A_70 = arith.constant 80 : i32
      %mul3A_71 = arith.muli %mul3A_69, %mul3A_70 : i32
      %add3A_72 = arith.constant 40 : i32
      %add3A_73 = arith.addi %mul3A_71, %add3A_72 : i32
      "tpu.region"() ({
        %run_scoped3A = tpu.sem_alloc : memref<!tpu.dma_semaphore, #tpu.memory_space<semaphore_mem>>
        %dma_start3A_74 = arith.constant 0 : i32
        %dma_start3A_75 = tpu.memref_slice %arg4[%add3A_73, %dma_start3A_74] : memref<2560x128xi32, #tpu.memory_space<hbm>> -> memref<40x128xi32, #tpu.memory_space<hbm>>
        %dma_start3A_76 = arith.constant 0 : i32
        %dma_start3A_77 = tpu.memref_slice %arg4[%add3A_73, %dma_start3A_76] : memref<2560x128xi32, #tpu.memory_space<hbm>> -> memref<40x128xi32, #tpu.memory_space<hbm>>
        tpu.enqueue_dma source(%dma_start3A_77 : memref<40x128xi32, #tpu.memory_space<hbm>>) target(%arg7 : memref<40x128xi32, #tpu.memory_space<vmem>>) target_semaphore(%run_scoped3A : memref<!tpu.dma_semaphore, #tpu.memory_space<semaphore_mem>>)
        %dma_wait3A_78 = arith.constant 0 : i32
        %dma_wait3A_79 = tpu.memref_slice %arg4[%add3A_73, %dma_wait3A_78] : memref<2560x128xi32, #tpu.memory_space<hbm>> -> memref<40x128xi32, #tpu.memory_space<hbm>>
        %dma_wait3A_80 = arith.constant 0 : i32
        %dma_wait3A_81 = tpu.memref_slice %arg4[%add3A_73, %dma_wait3A_80] : memref<2560x128xi32, #tpu.memory_space<hbm>> -> memref<40x128xi32, #tpu.memory_space<hbm>>
        tpu.wait_dma2 semaphore(%run_scoped3A : memref<!tpu.dma_semaphore, #tpu.memory_space<semaphore_mem>>) src(%dma_wait3A_81 : memref<40x128xi32, #tpu.memory_space<hbm>>) dst(%arg7 : memref<40x128xi32, #tpu.memory_space<vmem>>)
        tpu.yield
      }) : () -> ()
    } else {
    }
    %mul3A_38 = arith.constant 2 : i32
    %mul3A_39 = arith.muli %arg1, %mul3A_38 : i32
    %mul3A_40 = arith.constant 80 : i32
    %mul3A_41 = arith.muli %mul3A_39, %mul3A_40 : i32
    %add3A_42 = arith.constant 80 : i32
    %add3A_43 = arith.addi %mul3A_41, %add3A_42 : i32
    %add3A_44 = arith.constant 40 : i32
    %add3A_45 = arith.addi %add3A_43, %add3A_44 : i32
    "tpu.region"() ({
      %run_scoped3A = tpu.sem_alloc : memref<!tpu.dma_semaphore, #tpu.memory_space<semaphore_mem>>
      %dma_start3A_68 = arith.constant 0 : i32
      %dma_start3A_69 = tpu.memref_slice %arg3[%add3A_45, %dma_start3A_68] : memref<2560x128xi32, #tpu.memory_space<hbm>> -> memref<40x128xi32, #tpu.memory_space<hbm>>
      %dma_start3A_70 = arith.constant 0 : i32
      %dma_start3A_71 = tpu.memref_slice %arg3[%add3A_45, %dma_start3A_70] : memref<2560x128xi32, #tpu.memory_space<hbm>> -> memref<40x128xi32, #tpu.memory_space<hbm>>
      tpu.enqueue_dma source(%dma_start3A_71 : memref<40x128xi32, #tpu.memory_space<hbm>>) target(%arg8 : memref<40x128xi32, #tpu.memory_space<vmem>>) target_semaphore(%run_scoped3A : memref<!tpu.dma_semaphore, #tpu.memory_space<semaphore_mem>>)
      %dma_wait3A_72 = arith.constant 0 : i32
      %dma_wait3A_73 = tpu.memref_slice %arg3[%add3A_45, %dma_wait3A_72] : memref<2560x128xi32, #tpu.memory_space<hbm>> -> memref<40x128xi32, #tpu.memory_space<hbm>>
      %dma_wait3A_74 = arith.constant 0 : i32
      %dma_wait3A_75 = tpu.memref_slice %arg3[%add3A_45, %dma_wait3A_74] : memref<2560x128xi32, #tpu.memory_space<hbm>> -> memref<40x128xi32, #tpu.memory_space<hbm>>
      tpu.wait_dma2 semaphore(%run_scoped3A : memref<!tpu.dma_semaphore, #tpu.memory_space<semaphore_mem>>) src(%dma_wait3A_75 : memref<40x128xi32, #tpu.memory_space<hbm>>) dst(%arg8 : memref<40x128xi32, #tpu.memory_space<vmem>>)
      tpu.yield
    }) : () -> ()
    %dma_start3A_46 = arith.constant 0 : i32
    %dma_start3A_47 = arith.constant 0 : i32
    %dma_start3A_48 = tpu.memref_slice %arg7[%dma_start3A_46, %dma_start3A_47] : memref<40x128xi32, #tpu.memory_space<vmem>> -> memref<1x128xi32, #tpu.memory_space<vmem>>
    %dma_start3A_49 = tpu.memref_squeeze %dma_start3A_48 : memref<1x128xi32, #tpu.memory_space<vmem>> -> memref<128xi32, #tpu.memory_space<vmem>>
    %dma_start3A_50 = arith.constant 0 : i32
    %dma_start3A_51 = arith.constant 0 : i32
    %dma_start3A_52 = tpu.memref_slice %arg2[%dma_start3A_50, %dma_start3A_51] : memref<20000x128xf32, #tpu.memory_space<hbm>> -> memref<20000x128xf32, #tpu.memory_space<hbm>>
    tpu.enqueue_indirect_dma source(%dma_start3A_52 : memref<20000x128xf32, #tpu.memory_space<hbm>>) target(%arg9 : memref<128x128xf32, #tpu.memory_space<vmem>>) offsets(%dma_start3A_49 : memref<128xi32, #tpu.memory_space<vmem>>) semaphore(%arg12 : memref<!tpu.dma_semaphore, #tpu.memory_space<semaphore_mem>>)
    %scan3A_53 = arith.constant 0 : i32
    %scan3A_54 = arith.constant 20 : i32
    %scan3A_55 = arith.addi %scan3A_53, %scan3A_54 : i32
    %scan3A_56 = arith.constant 1 : i32
    scf.for %scan3A_68 = %scan3A_53 to %scan3A_55 step %scan3A_56  : i32 {
      %mul3A_69 = arith.constant 2 : i32
      %mul3A_70 = arith.muli %scan3A_68, %mul3A_69 : i32
      %add3A_71 = arith.constant 0 : i32
      %add3A_72 = arith.addi %add3A_71, %mul3A_70 : i32
      %add3A_73 = arith.constant 1 : i32
      %add3A_74 = arith.addi %add3A_72, %add3A_73 : i32
      %dma_start3A_75 = arith.constant 0 : i32
      %dma_start3A_76 = tpu.memref_slice %arg7[%add3A_74, %dma_start3A_75] : memref<40x128xi32, #tpu.memory_space<vmem>> -> memref<1x128xi32, #tpu.memory_space<vmem>>
      %dma_start3A_77 = tpu.memref_squeeze %dma_start3A_76 : memref<1x128xi32, #tpu.memory_space<vmem>> -> memref<128xi32, #tpu.memory_space<vmem>>
      %dma_start3A_78 = arith.constant 0 : i32
      %dma_start3A_79 = arith.constant 0 : i32
      %dma_start3A_80 = tpu.memref_slice %arg2[%dma_start3A_78, %dma_start3A_79] : memref<20000x128xf32, #tpu.memory_space<hbm>> -> memref<20000x128xf32, #tpu.memory_space<hbm>>
      tpu.enqueue_indirect_dma source(%dma_start3A_80 : memref<20000x128xf32, #tpu.memory_space<hbm>>) target(%arg10 : memref<128x128xf32, #tpu.memory_space<vmem>>) offsets(%dma_start3A_77 : memref<128xi32, #tpu.memory_space<vmem>>) semaphore(%arg13 : memref<!tpu.dma_semaphore, #tpu.memory_space<semaphore_mem>>)
      %dma_wait3A_81 = arith.constant 0 : i32
      %dma_wait3A_82 = tpu.memref_slice %arg7[%add3A_72, %dma_wait3A_81] : memref<40x128xi32, #tpu.memory_space<vmem>> -> memref<1x128xi32, #tpu.memory_space<vmem>>
      %dma_wait3A_83 = tpu.memref_squeeze %dma_wait3A_82 : memref<1x128xi32, #tpu.memory_space<vmem>> -> memref<128xi32, #tpu.memory_space<vmem>>
      %dma_wait3A_84 = arith.constant 0 : i32
      %dma_wait3A_85 = arith.constant 0 : i32
      %dma_wait3A_86 = tpu.memref_slice %arg2[%dma_wait3A_84, %dma_wait3A_85] : memref<20000x128xf32, #tpu.memory_space<hbm>> -> memref<20000x128xf32, #tpu.memory_space<hbm>>
      tpu.wait_indirect_dma semaphore(%arg12 : memref<!tpu.dma_semaphore, #tpu.memory_space<semaphore_mem>>) src(%dma_wait3A_86 : memref<20000x128xf32, #tpu.memory_space<hbm>>) dst(%arg9 : memref<128x128xf32, #tpu.memory_space<vmem>>)
      "tpu.region"() ({
        %run_scoped3A = tpu.sem_alloc : memref<!tpu.dma_semaphore, #tpu.memory_space<semaphore_mem>>
        %dma_start3A_104 = arith.constant 0 : i32
        %dma_start3A_105 = tpu.memref_slice %arg8[%add3A_72, %dma_start3A_104] : memref<40x128xi32, #tpu.memory_space<vmem>> -> memref<1x128xi32, #tpu.memory_space<vmem>>
        %dma_start3A_106 = tpu.memref_squeeze %dma_start3A_105 : memref<1x128xi32, #tpu.memory_space<vmem>> -> memref<128xi32, #tpu.memory_space<vmem>>
        %dma_start3A_107 = arith.constant 0 : i32
        %dma_start3A_108 = arith.constant 0 : i32
        %dma_start3A_109 = tpu.memref_slice %arg11[%dma_start3A_107, %dma_start3A_108] : memref<10112x128xf32, #tpu.memory_space<vmem_shared>> -> memref<10112x128xf32, #tpu.memory_space<vmem_shared>>
        tpu.enqueue_indirect_dma source(%arg9 : memref<128x128xf32, #tpu.memory_space<vmem>>) target(%dma_start3A_109 : memref<10112x128xf32, #tpu.memory_space<vmem_shared>>) offsets(%dma_start3A_106 : memref<128xi32, #tpu.memory_space<vmem>>) semaphore(%run_scoped3A : memref<!tpu.dma_semaphore, #tpu.memory_space<semaphore_mem>>) {add = true}
        %dma_wait3A_110 = arith.constant 0 : i32
        %dma_wait3A_111 = tpu.memref_slice %arg8[%add3A_72, %dma_wait3A_110] : memref<40x128xi32, #tpu.memory_space<vmem>> -> memref<1x128xi32, #tpu.memory_space<vmem>>
        %dma_wait3A_112 = tpu.memref_squeeze %dma_wait3A_111 : memref<1x128xi32, #tpu.memory_space<vmem>> -> memref<128xi32, #tpu.memory_space<vmem>>
        %dma_wait3A_113 = arith.constant 0 : i32
        %dma_wait3A_114 = arith.constant 0 : i32
        %dma_wait3A_115 = tpu.memref_slice %arg11[%dma_wait3A_113, %dma_wait3A_114] : memref<10112x128xf32, #tpu.memory_space<vmem_shared>> -> memref<10112x128xf32, #tpu.memory_space<vmem_shared>>
        tpu.wait_indirect_dma semaphore(%run_scoped3A : memref<!tpu.dma_semaphore, #tpu.memory_space<semaphore_mem>>) src(%arg9 : memref<128x128xf32, #tpu.memory_space<vmem>>) dst(%dma_wait3A_115 : memref<10112x128xf32, #tpu.memory_space<vmem_shared>>)
        tpu.yield
      }) : () -> ()
      %add3A_87 = arith.constant 2 : i32
      %add3A_88 = arith.addi %add3A_72, %add3A_87 : i32
      %lt3A_89 = arith.constant 40 : i32
      %lt3A_90 = arith.cmpi slt, %add3A_88, %lt3A_89 : i32
      %convert_element_type3A_91 = arith.extui %lt3A_90 : i1 to i32
      %cond3A_92 = arith.constant 0 : i32
      %cond3A_93 = arith.cmpi ne, %convert_element_type3A_91, %cond3A_92 : i32
      scf.if %cond3A_93 {
        %add3A_104 = arith.constant 2 : i32
        %add3A_105 = arith.addi %add3A_72, %add3A_104 : i32
        %dma_start3A_106 = arith.constant 0 : i32
        %dma_start3A_107 = tpu.memref_slice %arg7[%add3A_105, %dma_start3A_106] : memref<40x128xi32, #tpu.memory_space<vmem>> -> memref<1x128xi32, #tpu.memory_space<vmem>>
        %dma_start3A_108 = tpu.memref_squeeze %dma_start3A_107 : memref<1x128xi32, #tpu.memory_space<vmem>> -> memref<128xi32, #tpu.memory_space<vmem>>
        %dma_start3A_109 = arith.constant 0 : i32
        %dma_start3A_110 = arith.constant 0 : i32
        %dma_start3A_111 = tpu.memref_slice %arg2[%dma_start3A_109, %dma_start3A_110] : memref<20000x128xf32, #tpu.memory_space<hbm>> -> memref<20000x128xf32, #tpu.memory_space<hbm>>
        tpu.enqueue_indirect_dma source(%dma_start3A_111 : memref<20000x128xf32, #tpu.memory_space<hbm>>) target(%arg9 : memref<128x128xf32, #tpu.memory_space<vmem>>) offsets(%dma_start3A_108 : memref<128xi32, #tpu.memory_space<vmem>>) semaphore(%arg12 : memref<!tpu.dma_semaphore, #tpu.memory_space<semaphore_mem>>)
      } else {
      }
      %add3A_94 = arith.constant 1 : i32
      %add3A_95 = arith.addi %add3A_72, %add3A_94 : i32
      %dma_wait3A_96 = arith.constant 0 : i32
      %dma_wait3A_97 = tpu.memref_slice %arg7[%add3A_95, %dma_wait3A_96] : memref<40x128xi32, #tpu.memory_space<vmem>> -> memref<1x128xi32, #tpu.memory_space<vmem>>
      %dma_wait3A_98 = tpu.memref_squeeze %dma_wait3A_97 : memref<1x128xi32, #tpu.memory_space<vmem>> -> memref<128xi32, #tpu.memory_space<vmem>>
      %dma_wait3A_99 = arith.constant 0 : i32
      %dma_wait3A_100 = arith.constant 0 : i32
      %dma_wait3A_101 = tpu.memref_slice %arg2[%dma_wait3A_99, %dma_wait3A_100] : memref<20000x128xf32, #tpu.memory_space<hbm>> -> memref<20000x128xf32, #tpu.memory_space<hbm>>
      tpu.wait_indirect_dma semaphore(%arg13 : memref<!tpu.dma_semaphore, #tpu.memory_space<semaphore_mem>>) src(%dma_wait3A_101 : memref<20000x128xf32, #tpu.memory_space<hbm>>) dst(%arg10 : memref<128x128xf32, #tpu.memory_space<vmem>>)
      %add3A_102 = arith.constant 1 : i32
      %add3A_103 = arith.addi %add3A_72, %add3A_102 : i32
      "tpu.region"() ({
        %run_scoped3A = tpu.sem_alloc : memref<!tpu.dma_semaphore, #tpu.memory_space<semaphore_mem>>
        %dma_start3A_104 = arith.constant 0 : i32
        %dma_start3A_105 = tpu.memref_slice %arg8[%add3A_103, %dma_start3A_104] : memref<40x128xi32, #tpu.memory_space<vmem>> -> memref<1x128xi32, #tpu.memory_space<vmem>>
        %dma_start3A_106 = tpu.memref_squeeze %dma_start3A_105 : memref<1x128xi32, #tpu.memory_space<vmem>> -> memref<128xi32, #tpu.memory_space<vmem>>
        %dma_start3A_107 = arith.constant 0 : i32
        %dma_start3A_108 = arith.constant 0 : i32
        %dma_start3A_109 = tpu.memref_slice %arg11[%dma_start3A_107, %dma_start3A_108] : memref<10112x128xf32, #tpu.memory_space<vmem_shared>> -> memref<10112x128xf32, #tpu.memory_space<vmem_shared>>
        tpu.enqueue_indirect_dma source(%arg10 : memref<128x128xf32, #tpu.memory_space<vmem>>) target(%dma_start3A_109 : memref<10112x128xf32, #tpu.memory_space<vmem_shared>>) offsets(%dma_start3A_106 : memref<128xi32, #tpu.memory_space<vmem>>) semaphore(%run_scoped3A : memref<!tpu.dma_semaphore, #tpu.memory_space<semaphore_mem>>) {add = true}
        %dma_wait3A_110 = arith.constant 0 : i32
        %dma_wait3A_111 = tpu.memref_slice %arg8[%add3A_103, %dma_wait3A_110] : memref<40x128xi32, #tpu.memory_space<vmem>> -> memref<1x128xi32, #tpu.memory_space<vmem>>
        %dma_wait3A_112 = tpu.memref_squeeze %dma_wait3A_111 : memref<1x128xi32, #tpu.memory_space<vmem>> -> memref<128xi32, #tpu.memory_space<vmem>>
        %dma_wait3A_113 = arith.constant 0 : i32
        %dma_wait3A_114 = arith.constant 0 : i32
        %dma_wait3A_115 = tpu.memref_slice %arg11[%dma_wait3A_113, %dma_wait3A_114] : memref<10112x128xf32, #tpu.memory_space<vmem_shared>> -> memref<10112x128xf32, #tpu.memory_space<vmem_shared>>
        tpu.wait_indirect_dma semaphore(%run_scoped3A : memref<!tpu.dma_semaphore, #tpu.memory_space<semaphore_mem>>) src(%arg10 : memref<128x128xf32, #tpu.memory_space<vmem>>) dst(%dma_wait3A_115 : memref<10112x128xf32, #tpu.memory_space<vmem_shared>>)
        tpu.yield
      }) : () -> ()
    }
    %scan3A_57 = arith.constant 20 : i32
    %barrier3A_58 = arith.constant 0 : index
    tpu.barrier barrier_id(%barrier3A_58)
    %lt3A = arith.constant 15 : i32
    %lt3A_59 = arith.cmpi slt, %arg1, %lt3A : i32
    %convert_element_type3A_60 = arith.extui %lt3A_59 : i1 to i32
    %cond3A_61 = arith.constant 0 : i32
    %cond3A_62 = arith.cmpi ne, %convert_element_type3A_60, %cond3A_61 : i32
    scf.if %cond3A_62 {
      %mul3A_68 = arith.constant 632 : i32
      %mul3A_69 = arith.muli %arg1, %mul3A_68 : i32
      %mul3A_70 = arith.constant 10000 : i32
      %mul3A_71 = arith.muli %arg0, %mul3A_70 : i32
      %mul3A_72 = arith.constant 632 : i32
      %mul3A_73 = arith.muli %arg1, %mul3A_72 : i32
      %add3A_74 = arith.addi %mul3A_71, %mul3A_73 : i32
      "tpu.region"() ({
        %run_scoped3A = tpu.sem_alloc : memref<!tpu.dma_semaphore, #tpu.memory_space<semaphore_mem>>
        %dma_start3A_75 = arith.constant 0 : i32
        %dma_start3A_76 = tpu.memref_slice %arg6[%add3A_74, %dma_start3A_75] : memref<20000x128xf32, #tpu.memory_space<hbm>> -> memref<632x128xf32, #tpu.memory_space<hbm>>
        %dma_start3A_77 = arith.constant 0 : i32
        %dma_start3A_78 = tpu.memref_slice %arg11[%mul3A_69, %dma_start3A_77] : memref<10112x128xf32, #tpu.memory_space<vmem_shared>> -> memref<632x128xf32, #tpu.memory_space<vmem_shared>>
        tpu.enqueue_dma source(%dma_start3A_78 : memref<632x128xf32, #tpu.memory_space<vmem_shared>>) target(%dma_start3A_76 : memref<632x128xf32, #tpu.memory_space<hbm>>) target_semaphore(%run_scoped3A : memref<!tpu.dma_semaphore, #tpu.memory_space<semaphore_mem>>)
        %dma_wait3A_79 = arith.constant 0 : i32
        %dma_wait3A_80 = tpu.memref_slice %arg6[%add3A_74, %dma_wait3A_79] : memref<20000x128xf32, #tpu.memory_space<hbm>> -> memref<632x128xf32, #tpu.memory_space<hbm>>
        %dma_wait3A_81 = arith.constant 0 : i32
        %dma_wait3A_82 = tpu.memref_slice %arg11[%mul3A_69, %dma_wait3A_81] : memref<10112x128xf32, #tpu.memory_space<vmem_shared>> -> memref<632x128xf32, #tpu.memory_space<vmem_shared>>
        tpu.wait_dma2 semaphore(%run_scoped3A : memref<!tpu.dma_semaphore, #tpu.memory_space<semaphore_mem>>) src(%dma_wait3A_82 : memref<632x128xf32, #tpu.memory_space<vmem_shared>>) dst(%dma_wait3A_80 : memref<632x128xf32, #tpu.memory_space<hbm>>)
        tpu.yield
      }) : () -> ()
    } else {
    }
    %eq3A_63 = arith.constant 15 : i32
    %eq3A_64 = arith.cmpi eq, %arg1, %eq3A_63 : i32
    %convert_element_type3A_65 = arith.extui %eq3A_64 : i1 to i32
    %cond3A_66 = arith.constant 0 : i32
    %cond3A_67 = arith.cmpi ne, %convert_element_type3A_65, %cond3A_66 : i32
    scf.if %cond3A_67 {
      %mul3A_68 = arith.constant 10000 : i32
      %mul3A_69 = arith.muli %arg0, %mul3A_68 : i32
      %add3A_70 = arith.constant 9480 : i32
      %add3A_71 = arith.addi %mul3A_69, %add3A_70 : i32
      "tpu.region"() ({
        %run_scoped3A = tpu.sem_alloc : memref<!tpu.dma_semaphore, #tpu.memory_space<semaphore_mem>>
        %dma_start3A_72 = arith.constant 0 : i32
        %dma_start3A_73 = tpu.memref_slice %arg6[%add3A_71, %dma_start3A_72] : memref<20000x128xf32, #tpu.memory_space<hbm>> -> memref<520x128xf32, #tpu.memory_space<hbm>>
        %dma_start3A_74 = arith.constant 9480 : i32
        %dma_start3A_75 = arith.constant 0 : i32
        %dma_start3A_76 = tpu.memref_slice %arg11[%dma_start3A_74, %dma_start3A_75] : memref<10112x128xf32, #tpu.memory_space<vmem_shared>> -> memref<520x128xf32, #tpu.memory_space<vmem_shared>>
        tpu.enqueue_dma source(%dma_start3A_76 : memref<520x128xf32, #tpu.memory_space<vmem_shared>>) target(%dma_start3A_73 : memref<520x128xf32, #tpu.memory_space<hbm>>) target_semaphore(%run_scoped3A : memref<!tpu.dma_semaphore, #tpu.memory_space<semaphore_mem>>)
        %dma_wait3A_77 = arith.constant 0 : i32
        %dma_wait3A_78 = tpu.memref_slice %arg6[%add3A_71, %dma_wait3A_77] : memref<20000x128xf32, #tpu.memory_space<hbm>> -> memref<520x128xf32, #tpu.memory_space<hbm>>
        %dma_wait3A_79 = arith.constant 9480 : i32
        %dma_wait3A_80 = arith.constant 0 : i32
        %dma_wait3A_81 = tpu.memref_slice %arg11[%dma_wait3A_79, %dma_wait3A_80] : memref<10112x128xf32, #tpu.memory_space<vmem_shared>> -> memref<520x128xf32, #tpu.memory_space<vmem_shared>>
        tpu.wait_dma2 semaphore(%run_scoped3A : memref<!tpu.dma_semaphore, #tpu.memory_space<semaphore_mem>>) src(%dma_wait3A_81 : memref<520x128xf32, #tpu.memory_space<vmem_shared>>) dst(%dma_wait3A_78 : memref<520x128xf32, #tpu.memory_space<hbm>>)
        tpu.yield
      }) : () -> ()
    } else {
    }
    return
  }
}

module attributes {stable_mosaic.version = 14 : i64} {
  func.func @_stage1_body(%arg0: i32, %arg1: memref<2000x256xf32, #tpu.memory_space<vmem>>, %arg2: memref<256x256xf32, #tpu.memory_space<vmem>>, %arg3: memref<1x256xf32, #tpu.memory_space<vmem>>, %arg4: memref<2x2000x128xf32, #tpu.memory_space<vmem>>) attributes {dimension_semantics = [#tpu.dimension_semantics<arbitrary>], iteration_bounds = array<i64: 5>, scalar_prefetch = 0 : i64, scratch_operands = 0 : i64, tpu.core_type = #tpu.core_type<tc>, window_params = [{transform_indices = @transform_0, window_bounds = array<i64: 2000, 256>}, {pipeline_mode = #tpu.pipeline_mode<synchronous>, transform_indices = @transform_1, window_bounds = array<i64: 256, 256>}, {pipeline_mode = #tpu.pipeline_mode<synchronous>, transform_indices = @transform_2, window_bounds = array<i64: 1, 256>}, {transform_indices = @transform_3, window_bounds = array<i64: 2, 2000, 128>}]} {
    %get3A = arith.constant 0 : index
    %get3A_0 = arith.constant 0 : index
    %get3A_1 = vector.load %arg1[%get3A, %get3A_0] : memref<2000x256xf32, #tpu.memory_space<vmem>>, vector<2000x256xf32>
    %mul3A = arith.mulf %get3A_1, %get3A_1 : vector<2000x256xf32>
    %reduce_sum3A = arith.constant dense<0.000000e+00> : vector<2000xf32>
    %reduce_sum3A_2 = vector.multi_reduction <add>, %mul3A, %reduce_sum3A [1] : vector<2000x256xf32> to vector<2000xf32>
    %broadcast_in_dim3A = vector.shape_cast %reduce_sum3A_2 : vector<2000xf32> to vector<2000x1xf32>
    %sqrt3A = math.sqrt %broadcast_in_dim3A : vector<2000x1xf32>
    %max3A = arith.constant 1.000000e-15 : f32
    %max3A_3 = vector.broadcast %max3A : f32 to vector<2000x1xf32>
    %max3A_4 = arith.maximumf %sqrt3A, %max3A_3 : vector<2000x1xf32>
    %get3A_5 = arith.constant 0 : index
    %get3A_6 = arith.constant 0 : index
    %get3A_7 = vector.load %arg2[%get3A_5, %get3A_6] : memref<256x256xf32, #tpu.memory_space<vmem>>, vector<256x256xf32>
    %dot_general3A = arith.constant dense<0.000000e+00> : vector<2000x256xf32>
    %dot_general3A_8 = tpu.matmul %get3A_1, %get3A_7, %dot_general3A {dimension_numbers = #tpu.dot_dimension_numbers<[1], [1], [0], [0], [0, 0, 1, 0], [], []>, transpose_lhs_hint = false} : vector<2000x256xf32>, vector<256x256xf32>, vector<2000x256xf32> -> vector<2000x256xf32>
    %mul3A_9 = arith.mulf %dot_general3A_8, %dot_general3A_8 : vector<2000x256xf32>
    %reduce_sum3A_10 = arith.constant dense<0.000000e+00> : vector<2000xf32>
    %reduce_sum3A_11 = vector.multi_reduction <add>, %mul3A_9, %reduce_sum3A_10 [1] : vector<2000x256xf32> to vector<2000xf32>
    %broadcast_in_dim3A_12 = vector.shape_cast %reduce_sum3A_11 : vector<2000xf32> to vector<2000x1xf32>
    %sqrt3A_13 = math.sqrt %broadcast_in_dim3A_12 : vector<2000x1xf32>
    %max3A_14 = arith.constant 1.000000e-15 : f32
    %max3A_15 = vector.broadcast %max3A_14 : f32 to vector<2000x1xf32>
    %max3A_16 = arith.maximumf %sqrt3A_13, %max3A_15 : vector<2000x1xf32>
    %div3A = arith.divf %max3A_16, %max3A_4 : vector<2000x1xf32>
    %jit3A = arith.constant -0.99999988 : f32
    %jit3A_17 = arith.constant 0.99999988 : f32
    %max3A_18 = vector.broadcast %jit3A : f32 to vector<2000x1xf32>
    %max3A_19 = arith.maximumf %max3A_18, %max3A_4 : vector<2000x1xf32>
    %min3A = vector.broadcast %jit3A_17 : f32 to vector<2000x1xf32>
    %min3A_20 = arith.minimumf %min3A, %max3A_19 : vector<2000x1xf32>
    %add3A = arith.constant 1.000000e+00 : f32
    %add3A_21 = vector.broadcast %add3A : f32 to vector<2000x1xf32>
    %add3A_22 = arith.addf %add3A_21, %min3A_20 : vector<2000x1xf32>
    %sub3A = arith.constant 1.000000e+00 : f32
    %sub3A_23 = vector.broadcast %sub3A : f32 to vector<2000x1xf32>
    %sub3A_24 = arith.subf %sub3A_23, %min3A_20 : vector<2000x1xf32>
    %div3A_25 = arith.divf %add3A_22, %sub3A_24 : vector<2000x1xf32>
    %log3A = math.log %div3A_25 : vector<2000x1xf32>
    %mul3A_26 = arith.constant 5.000000e-01 : f32
    %mul3A_27 = vector.broadcast %mul3A_26 : f32 to vector<2000x1xf32>
    %mul3A_28 = arith.mulf %mul3A_27, %log3A : vector<2000x1xf32>
    %mul3A_29 = arith.mulf %div3A, %mul3A_28 : vector<2000x1xf32>
    %tanh3A = math.tanh %mul3A_29 : vector<2000x1xf32>
    %div3A_30 = arith.divf %tanh3A, %max3A_16 : vector<2000x1xf32>
    %mul3A_31 = arith.mulf %div3A_30, %sqrt3A_13 : vector<2000x1xf32>
    %gt3A = arith.constant 0.995999991 : f32
    %gt3A_32 = vector.broadcast %gt3A : f32 to vector<2000x1xf32>
    %gt3A_33 = arith.cmpf ogt, %mul3A_31, %gt3A_32 : vector<2000x1xf32>
    %max3A_34 = arith.constant 1.000000e-15 : f32
    %max3A_35 = vector.broadcast %max3A_34 : f32 to vector<2000x1xf32>
    %max3A_36 = arith.maximumf %mul3A_31, %max3A_35 : vector<2000x1xf32>
    %div3A_37 = arith.constant 0.995999991 : f32
    %div3A_38 = vector.broadcast %div3A_37 : f32 to vector<2000x1xf32>
    %div3A_39 = arith.divf %div3A_38, %max3A_36 : vector<2000x1xf32>
    %jit3A_40 = arith.constant 1.000000e+00 : f32
    %broadcast_in_dim3A_41 = vector.broadcast %jit3A_40 : f32 to vector<2000x1xf32>
    %select_n3A = arith.select %gt3A_33, %div3A_39, %broadcast_in_dim3A_41 : vector<2000x1xi1>, vector<2000x1xf32>
    %mul3A_42 = arith.mulf %div3A_30, %select_n3A : vector<2000x1xf32>
    %gt3A_43 = arith.constant 0.995999991 : f32
    %gt3A_44 = vector.broadcast %gt3A_43 : f32 to vector<2000x1xf32>
    %gt3A_45 = arith.cmpf ogt, %mul3A_31, %gt3A_44 : vector<2000x1xf32>
    %max3A_46 = arith.constant 1.000000e-15 : f32
    %max3A_47 = vector.broadcast %max3A_46 : f32 to vector<2000x1xf32>
    %max3A_48 = arith.maximumf %mul3A_31, %max3A_47 : vector<2000x1xf32>
    %div3A_49 = arith.constant 0.995999991 : f32
    %div3A_50 = vector.broadcast %div3A_49 : f32 to vector<2000x1xf32>
    %div3A_51 = arith.divf %div3A_50, %max3A_48 : vector<2000x1xf32>
    %jit3A_52 = arith.constant 1.000000e+00 : f32
    %broadcast_in_dim3A_53 = vector.broadcast %jit3A_52 : f32 to vector<2000x1xf32>
    %select_n3A_54 = arith.select %gt3A_45, %div3A_51, %broadcast_in_dim3A_53 : vector<2000x1xi1>, vector<2000x1xf32>
    %mul3A_55 = arith.mulf %mul3A_31, %select_n3A_54 : vector<2000x1xf32>
    %get3A_56 = arith.constant 0 : index
    %get3A_57 = arith.constant 0 : index
    %get3A_58 = vector.load %arg3[%get3A_56, %get3A_57] : memref<1x256xf32, #tpu.memory_space<vmem>>, vector<1x256xf32>
    %mul3A_59 = arith.mulf %get3A_58, %get3A_58 : vector<1x256xf32>
    %reduce_sum3A_60 = vector.shape_cast %mul3A_59 : vector<1x256xf32> to vector<1x1x256xf32>
    %reduce_sum3A_61 = arith.constant dense<0.000000e+00> : vector<1xf32>
    %reduce_sum3A_62 = vector.multi_reduction <add>, %reduce_sum3A_60, %reduce_sum3A_61 [1, 2] : vector<1x1x256xf32> to vector<1xf32>
    %reduce_sum3A_63 = vector.shape_cast %reduce_sum3A_62 : vector<1xf32> to vector<1x1x1xf32>
    %reduce_sum3A_64 = vector.extract %reduce_sum3A_63[0, 0, 0] : f32 from vector<1x1x1xf32>
    %eq3A = arith.constant 0.000000e+00 : f32
    %eq3A_65 = arith.cmpf oeq, %reduce_sum3A_64, %eq3A : f32
    %convert_element_type3A = arith.extui %eq3A_65 : i1 to i32
    %cond3A = arith.constant 0 : i32
    %cond3A_66 = arith.cmpi ne, %convert_element_type3A, %cond3A : i32
    scf.if %cond3A_66 {
      %max3A_71 = arith.constant 1.000000e-15 : f32
      %max3A_72 = vector.broadcast %max3A_71 : f32 to vector<2000x1xf32>
      %max3A_73 = arith.maximumf %mul3A_55, %max3A_72 : vector<2000x1xf32>
      %jit3A_74 = arith.constant -0.99999988 : f32
      %jit3A_75 = arith.constant 0.99999988 : f32
      %max3A_76 = vector.broadcast %jit3A_74 : f32 to vector<2000x1xf32>
      %max3A_77 = arith.maximumf %max3A_76, %max3A_73 : vector<2000x1xf32>
      %min3A_78 = vector.broadcast %jit3A_75 : f32 to vector<2000x1xf32>
      %min3A_79 = arith.minimumf %min3A_78, %max3A_77 : vector<2000x1xf32>
      %add3A_80 = arith.constant 1.000000e+00 : f32
      %add3A_81 = vector.broadcast %add3A_80 : f32 to vector<2000x1xf32>
      %add3A_82 = arith.addf %add3A_81, %min3A_79 : vector<2000x1xf32>
      %sub3A_83 = arith.constant 1.000000e+00 : f32
      %sub3A_84 = vector.broadcast %sub3A_83 : f32 to vector<2000x1xf32>
      %sub3A_85 = arith.subf %sub3A_84, %min3A_79 : vector<2000x1xf32>
      %div3A_86 = arith.divf %add3A_82, %sub3A_85 : vector<2000x1xf32>
      %log3A_87 = math.log %div3A_86 : vector<2000x1xf32>
      %mul3A_88 = arith.constant 5.000000e-01 : f32
      %mul3A_89 = vector.broadcast %mul3A_88 : f32 to vector<2000x1xf32>
      %mul3A_90 = arith.mulf %mul3A_89, %log3A_87 : vector<2000x1xf32>
      %div3A_91 = arith.divf %mul3A_90, %max3A_73 : vector<2000x1xf32>
      %mul3A_92 = arith.mulf %mul3A_42, %div3A_91 : vector<2000x1xf32>
      %mul3A_93 = vector.broadcast %mul3A_92 : vector<2000x1xf32> to vector<2000x256xf32>
      %mul3A_94 = arith.mulf %dot_general3A_8, %mul3A_93 : vector<2000x256xf32>
      %slice3A = vector.extract_strided_slice %mul3A_94 {offsets = [0, 0], sizes = [2000, 128], strides = [1, 1]} : vector<2000x256xf32> to vector<2000x128xf32>
      %swap3A = arith.constant 0 : index
      %swap3A_95 = arith.constant 0 : index
      %swap3A_96 = arith.constant 0 : index
      %swap3A_97 = vector.load %arg4[%swap3A, %swap3A_95, %swap3A_96] : memref<2x2000x128xf32, #tpu.memory_space<vmem>>, vector<1x2000x128xf32>
      %swap3A_98 = vector.shape_cast %swap3A_97 : vector<1x2000x128xf32> to vector<2000x128xf32>
      %swap3A_99 = vector.shape_cast %slice3A : vector<2000x128xf32> to vector<1x2000x128xf32>
      tpu.vector_store %arg4[%swap3A, %swap3A_95, %swap3A_96], %swap3A_99 {strides = array<i32>} : memref<2x2000x128xf32, #tpu.memory_space<vmem>>, vector<1x2000x128xf32>,
      %slice3A_100 = vector.extract_strided_slice %mul3A_94 {offsets = [0, 128], sizes = [2000, 128], strides = [1, 1]} : vector<2000x256xf32> to vector<2000x128xf32>
      %swap3A_101 = arith.constant 1 : index
      %swap3A_102 = arith.constant 0 : index
      %swap3A_103 = arith.constant 0 : index
      %swap3A_104 = vector.load %arg4[%swap3A_101, %swap3A_102, %swap3A_103] : memref<2x2000x128xf32, #tpu.memory_space<vmem>>, vector<1x2000x128xf32>
      %swap3A_105 = vector.shape_cast %swap3A_104 : vector<1x2000x128xf32> to vector<2000x128xf32>
      %swap3A_106 = vector.shape_cast %slice3A_100 : vector<2000x128xf32> to vector<1x2000x128xf32>
      tpu.vector_store %arg4[%swap3A_101, %swap3A_102, %swap3A_103], %swap3A_106 {strides = array<i32>} : memref<2x2000x128xf32, #tpu.memory_space<vmem>>, vector<1x2000x128xf32>,
    } else {
    }
    %ne3A = arith.constant 0.000000e+00 : f32
    %ne3A_67 = arith.cmpf one, %reduce_sum3A_64, %ne3A : f32
    %convert_element_type3A_68 = arith.extui %ne3A_67 : i1 to i32
    %cond3A_69 = arith.constant 0 : i32
    %cond3A_70 = arith.cmpi ne, %convert_element_type3A_68, %cond3A_69 : i32
    scf.if %cond3A_70 {
      %mul3A_71 = arith.mulf %get3A_58, %get3A_58 : vector<1x256xf32>
      %reduce_sum3A_72 = arith.constant dense<0.000000e+00> : vector<1xf32>
      %reduce_sum3A_73 = vector.multi_reduction <add>, %mul3A_71, %reduce_sum3A_72 [1] : vector<1x256xf32> to vector<1xf32>
      %broadcast_in_dim3A_74 = vector.shape_cast %reduce_sum3A_73 : vector<1xf32> to vector<1x1xf32>
      %sqrt3A_75 = math.sqrt %broadcast_in_dim3A_74 : vector<1x1xf32>
      %max3A_76 = arith.constant 1.000000e-15 : f32
      %max3A_77 = vector.broadcast %max3A_76 : f32 to vector<1x1xf32>
      %max3A_78 = arith.maximumf %sqrt3A_75, %max3A_77 : vector<1x1xf32>
      %tanh3A_79 = math.tanh %max3A_78 : vector<1x1xf32>
      %mul3A_80 = vector.broadcast %tanh3A_79 : vector<1x1xf32> to vector<1x256xf32>
      %mul3A_81 = arith.mulf %mul3A_80, %get3A_58 : vector<1x256xf32>
      %div3A_82 = vector.broadcast %max3A_78 : vector<1x1xf32> to vector<1x256xf32>
      %div3A_83 = arith.divf %mul3A_81, %div3A_82 : vector<1x256xf32>
      %mul3A_84 = arith.mulf %div3A_83, %div3A_83 : vector<1x256xf32>
      %reduce_sum3A_85 = arith.constant dense<0.000000e+00> : vector<1xf32>
      %reduce_sum3A_86 = vector.multi_reduction <add>, %mul3A_84, %reduce_sum3A_85 [1] : vector<1x256xf32> to vector<1xf32>
      %broadcast_in_dim3A_87 = vector.shape_cast %reduce_sum3A_86 : vector<1xf32> to vector<1x1xf32>
      %sqrt3A_88 = math.sqrt %broadcast_in_dim3A_87 : vector<1x1xf32>
      %gt3A_89 = arith.constant 0.995999991 : f32
      %gt3A_90 = vector.broadcast %gt3A_89 : f32 to vector<1x1xf32>
      %gt3A_91 = arith.cmpf ogt, %sqrt3A_88, %gt3A_90 : vector<1x1xf32>
      %max3A_92 = arith.constant 1.000000e-15 : f32
      %max3A_93 = vector.broadcast %max3A_92 : f32 to vector<1x1xf32>
      %max3A_94 = arith.maximumf %sqrt3A_88, %max3A_93 : vector<1x1xf32>
      %div3A_95 = arith.constant 0.995999991 : f32
      %div3A_96 = vector.broadcast %div3A_95 : f32 to vector<1x1xf32>
      %div3A_97 = arith.divf %div3A_96, %max3A_94 : vector<1x1xf32>
      %jit3A_98 = arith.constant 1.000000e+00 : f32
      %broadcast_in_dim3A_99 = vector.broadcast %jit3A_98 : f32 to vector<1x1xf32>
      %select_n3A_100 = arith.select %gt3A_91, %div3A_97, %broadcast_in_dim3A_99 : vector<1x1xi1>, vector<1x1xf32>
      %mul3A_101 = vector.broadcast %select_n3A_100 : vector<1x1xf32> to vector<1x256xf32>
      %mul3A_102 = arith.mulf %div3A_83, %mul3A_101 : vector<1x256xf32>
      %mul3A_103 = arith.mulf %mul3A_102, %mul3A_102 : vector<1x256xf32>
      %reduce_sum3A_104 = arith.constant dense<0.000000e+00> : vector<1xf32>
      %reduce_sum3A_105 = vector.multi_reduction <add>, %mul3A_103, %reduce_sum3A_104 [1] : vector<1x256xf32> to vector<1xf32>
      %broadcast_in_dim3A_106 = vector.shape_cast %reduce_sum3A_105 : vector<1xf32> to vector<1x1xf32>
      %mul3A_107 = vector.broadcast %mul3A_102 : vector<1x256xf32> to vector<2000x256xf32>
      %mul3A_108 = arith.mulf %dot_general3A_8, %mul3A_107 : vector<2000x256xf32>
      %reduce_sum3A_109 = arith.constant dense<0.000000e+00> : vector<2000xf32>
      %reduce_sum3A_110 = vector.multi_reduction <add>, %mul3A_108, %reduce_sum3A_109 [1] : vector<2000x256xf32> to vector<2000xf32>
      %broadcast_in_dim3A_111 = vector.shape_cast %reduce_sum3A_110 : vector<2000xf32> to vector<2000x1xf32>
      %mul3A_112 = arith.mulf %mul3A_42, %broadcast_in_dim3A_111 : vector<2000x1xf32>
      %mul3A_113 = arith.mulf %mul3A_55, %mul3A_55 : vector<2000x1xf32>
      %mul3A_114 = arith.constant 2.000000e+00 : f32
      %mul3A_115 = vector.broadcast %mul3A_114 : f32 to vector<2000x1xf32>
      %mul3A_116 = arith.mulf %mul3A_115, %mul3A_112 : vector<2000x1xf32>
      %add3A_117 = arith.constant 1.000000e+00 : f32
      %add3A_118 = vector.broadcast %add3A_117 : f32 to vector<2000x1xf32>
      %add3A_119 = arith.addf %add3A_118, %mul3A_116 : vector<2000x1xf32>
      %mul3A_120 = vector.broadcast %broadcast_in_dim3A_106 : vector<1x1xf32> to vector<2000x1xf32>
      %mul3A_121 = arith.mulf %mul3A_113, %mul3A_120 : vector<2000x1xf32>
      %add3A_122 = arith.addf %add3A_119, %mul3A_121 : vector<2000x1xf32>
      %max3A_123 = arith.constant 1.000000e-15 : f32
      %max3A_124 = vector.broadcast %max3A_123 : f32 to vector<2000x1xf32>
      %max3A_125 = arith.maximumf %add3A_122, %max3A_124 : vector<2000x1xf32>
      %mul3A_126 = arith.constant 2.000000e+00 : f32
      %mul3A_127 = vector.broadcast %mul3A_126 : f32 to vector<2000x1xf32>
      %mul3A_128 = arith.mulf %mul3A_127, %mul3A_112 : vector<2000x1xf32>
      %add3A_129 = arith.constant 1.000000e+00 : f32
      %add3A_130 = vector.broadcast %add3A_129 : f32 to vector<2000x1xf32>
      %add3A_131 = arith.addf %add3A_130, %mul3A_128 : vector<2000x1xf32>
      %add3A_132 = vector.broadcast %broadcast_in_dim3A_106 : vector<1x1xf32> to vector<2000x1xf32>
      %add3A_133 = arith.addf %add3A_131, %add3A_132 : vector<2000x1xf32>
      %mul3A_134 = arith.mulf %add3A_133, %mul3A_42 : vector<2000x1xf32>
      %mul3A_135 = vector.broadcast %mul3A_134 : vector<2000x1xf32> to vector<2000x256xf32>
      %mul3A_136 = arith.mulf %mul3A_135, %dot_general3A_8 : vector<2000x256xf32>
      %sub3A_137 = arith.constant 1.000000e+00 : f32
      %sub3A_138 = vector.broadcast %sub3A_137 : f32 to vector<2000x1xf32>
      %sub3A_139 = arith.subf %sub3A_138, %mul3A_113 : vector<2000x1xf32>
      %mul3A_140 = vector.broadcast %sub3A_139 : vector<2000x1xf32> to vector<2000x256xf32>
      %mul3A_141 = vector.broadcast %mul3A_102 : vector<1x256xf32> to vector<2000x256xf32>
      %mul3A_142 = arith.mulf %mul3A_140, %mul3A_141 : vector<2000x256xf32>
      %add3A_143 = arith.addf %mul3A_136, %mul3A_142 : vector<2000x256xf32>
      %mul3A_144 = arith.mulf %add3A_143, %add3A_143 : vector<2000x256xf32>
      %reduce_sum3A_145 = arith.constant dense<0.000000e+00> : vector<2000xf32>
      %reduce_sum3A_146 = vector.multi_reduction <add>, %mul3A_144, %reduce_sum3A_145 [1] : vector<2000x256xf32> to vector<2000xf32>
      %broadcast_in_dim3A_147 = vector.shape_cast %reduce_sum3A_146 : vector<2000xf32> to vector<2000x1xf32>
      %sqrt3A_148 = math.sqrt %broadcast_in_dim3A_147 : vector<2000x1xf32>
      %div3A_149 = arith.divf %sqrt3A_148, %max3A_125 : vector<2000x1xf32>
      %gt3A_150 = arith.constant 0.995999991 : f32
      %gt3A_151 = vector.broadcast %gt3A_150 : f32 to vector<2000x1xf32>
      %gt3A_152 = arith.cmpf ogt, %div3A_149, %gt3A_151 : vector<2000x1xf32>
      %max3A_153 = arith.constant 1.000000e-15 : f32
      %max3A_154 = vector.broadcast %max3A_153 : f32 to vector<2000x1xf32>
      %max3A_155 = arith.maximumf %div3A_149, %max3A_154 : vector<2000x1xf32>
      %div3A_156 = arith.constant 0.995999991 : f32
      %div3A_157 = vector.broadcast %div3A_156 : f32 to vector<2000x1xf32>
      %div3A_158 = arith.divf %div3A_157, %max3A_155 : vector<2000x1xf32>
      %jit3A_159 = arith.constant 1.000000e+00 : f32
      %broadcast_in_dim3A_160 = vector.broadcast %jit3A_159 : f32 to vector<2000x1xf32>
      %select_n3A_161 = arith.select %gt3A_152, %div3A_158, %broadcast_in_dim3A_160 : vector<2000x1xi1>, vector<2000x1xf32>
      %mul3A_162 = arith.mulf %div3A_149, %select_n3A_161 : vector<2000x1xf32>
      %max3A_163 = arith.constant 1.000000e-15 : f32
      %max3A_164 = vector.broadcast %max3A_163 : f32 to vector<2000x1xf32>
      %max3A_165 = arith.maximumf %mul3A_162, %max3A_164 : vector<2000x1xf32>
      %div3A_166 = arith.divf %select_n3A_161, %max3A_125 : vector<2000x1xf32>
      %jit3A_167 = arith.constant -0.99999988 : f32
      %jit3A_168 = arith.constant 0.99999988 : f32
      %max3A_169 = vector.broadcast %jit3A_167 : f32 to vector<2000x1xf32>
      %max3A_170 = arith.maximumf %max3A_169, %max3A_165 : vector<2000x1xf32>
      %min3A_171 = vector.broadcast %jit3A_168 : f32 to vector<2000x1xf32>
      %min3A_172 = arith.minimumf %min3A_171, %max3A_170 : vector<2000x1xf32>
      %add3A_173 = arith.constant 1.000000e+00 : f32
      %add3A_174 = vector.broadcast %add3A_173 : f32 to vector<2000x1xf32>
      %add3A_175 = arith.addf %add3A_174, %min3A_172 : vector<2000x1xf32>
      %sub3A_176 = arith.constant 1.000000e+00 : f32
      %sub3A_177 = vector.broadcast %sub3A_176 : f32 to vector<2000x1xf32>
      %sub3A_178 = arith.subf %sub3A_177, %min3A_172 : vector<2000x1xf32>
      %div3A_179 = arith.divf %add3A_175, %sub3A_178 : vector<2000x1xf32>
      %log3A_180 = math.log %div3A_179 : vector<2000x1xf32>
      %mul3A_181 = arith.constant 5.000000e-01 : f32
      %mul3A_182 = vector.broadcast %mul3A_181 : f32 to vector<2000x1xf32>
      %mul3A_183 = arith.mulf %mul3A_182, %log3A_180 : vector<2000x1xf32>
      %div3A_184 = arith.divf %mul3A_183, %max3A_165 : vector<2000x1xf32>
      %mul3A_185 = arith.mulf %div3A_166, %div3A_184 : vector<2000x1xf32>
      %mul3A_186 = vector.broadcast %mul3A_185 : vector<2000x1xf32> to vector<2000x256xf32>
      %mul3A_187 = arith.mulf %add3A_143, %mul3A_186 : vector<2000x256xf32>
      %slice3A = vector.extract_strided_slice %mul3A_187 {offsets = [0, 0], sizes = [2000, 128], strides = [1, 1]} : vector<2000x256xf32> to vector<2000x128xf32>
      %swap3A = arith.constant 0 : index
      %swap3A_188 = arith.constant 0 : index
      %swap3A_189 = arith.constant 0 : index
      %swap3A_190 = vector.load %arg4[%swap3A, %swap3A_188, %swap3A_189] : memref<2x2000x128xf32, #tpu.memory_space<vmem>>, vector<1x2000x128xf32>
      %swap3A_191 = vector.shape_cast %swap3A_190 : vector<1x2000x128xf32> to vector<2000x128xf32>
      %swap3A_192 = vector.shape_cast %slice3A : vector<2000x128xf32> to vector<1x2000x128xf32>
      tpu.vector_store %arg4[%swap3A, %swap3A_188, %swap3A_189], %swap3A_192 {strides = array<i32>} : memref<2x2000x128xf32, #tpu.memory_space<vmem>>, vector<1x2000x128xf32>,
      %slice3A_193 = vector.extract_strided_slice %mul3A_187 {offsets = [0, 128], sizes = [2000, 128], strides = [1, 1]} : vector<2000x256xf32> to vector<2000x128xf32>
      %swap3A_194 = arith.constant 1 : index
      %swap3A_195 = arith.constant 0 : index
      %swap3A_196 = arith.constant 0 : index
      %swap3A_197 = vector.load %arg4[%swap3A_194, %swap3A_195, %swap3A_196] : memref<2x2000x128xf32, #tpu.memory_space<vmem>>, vector<1x2000x128xf32>
      %swap3A_198 = vector.shape_cast %swap3A_197 : vector<1x2000x128xf32> to vector<2000x128xf32>
      %swap3A_199 = vector.shape_cast %slice3A_193 : vector<2000x128xf32> to vector<1x2000x128xf32>
      tpu.vector_store %arg4[%swap3A_194, %swap3A_195, %swap3A_196], %swap3A_199 {strides = array<i32>} : memref<2x2000x128xf32, #tpu.memory_space<vmem>>, vector<1x2000x128xf32>,
    } else {
    }
    return
  }
  func.func @transform_0(%arg0: i32) -> (i32, i32) {
    %c0_i32 = arith.constant 0 : i32
    %c0_i32_0 = arith.constant 0 : i32
    return %arg0, %c0_i32 : i32, i32
  }
  func.func @transform_1(%arg0: i32) -> (i32, i32) {
    %c0_i32 = arith.constant 0 : i32
    %c0_i32_0 = arith.constant 0 : i32
    %c0_i32_1 = arith.constant 0 : i32
    return %c0_i32, %c0_i32_0 : i32, i32
  }
  func.func @transform_2(%arg0: i32) -> (i32, i32) {
    %c0_i32 = arith.constant 0 : i32
    %c0_i32_0 = arith.constant 0 : i32
    %c0_i32_1 = arith.constant 0 : i32
    return %c0_i32, %c0_i32_0 : i32, i32
  }
  func.func @transform_3(%arg0: i32) -> (i32, i32, i32) {
    %c0_i32 = arith.constant 0 : i32
    %c0_i32_0 = arith.constant 0 : i32
    %c0_i32_1 = arith.constant 0 : i32
    return %c0_i32, %arg0, %c0_i32_0 : i32, i32, i32
  }
}

module attributes {stable_mosaic.version = 14 : i64} {
  func.func @_stage3_body(%arg0: i32, %arg1: memref<2000x128xf32, #tpu.memory_space<vmem>>, %arg2: memref<2000x128xf32, #tpu.memory_space<vmem>>, %arg3: memref<2000x256xf32, #tpu.memory_space<vmem>>) attributes {dimension_semantics = [#tpu.dimension_semantics<arbitrary>], iteration_bounds = array<i64: 5>, scalar_prefetch = 0 : i64, scratch_operands = 0 : i64, tpu.core_type = #tpu.core_type<tc>, window_params = [{transform_indices = @transform_0, window_bounds = array<i64: 2000, 128>}, {transform_indices = @transform_1, window_bounds = array<i64: 2000, 128>}, {transform_indices = @transform_2, window_bounds = array<i64: 2000, 256>}]} {
    %get3A = arith.constant 0 : index
    %get3A_0 = arith.constant 0 : index
    %get3A_1 = vector.load %arg1[%get3A, %get3A_0] : memref<2000x128xf32, #tpu.memory_space<vmem>>, vector<2000x128xf32>
    %get3A_2 = arith.constant 0 : index
    %get3A_3 = arith.constant 0 : index
    %get3A_4 = vector.load %arg2[%get3A_2, %get3A_3] : memref<2000x128xf32, #tpu.memory_space<vmem>>, vector<2000x128xf32>
    %concatenate3A = tpu.concatenate %get3A_1, %get3A_4 in 1 : vector<2000x128xf32>, vector<2000x128xf32> -> vector<2000x256xf32>
    %mul3A = arith.mulf %concatenate3A, %concatenate3A : vector<2000x256xf32>
    %reduce_sum3A = arith.constant dense<0.000000e+00> : vector<2000xf32>
    %reduce_sum3A_5 = vector.multi_reduction <add>, %mul3A, %reduce_sum3A [1] : vector<2000x256xf32> to vector<2000xf32>
    %broadcast_in_dim3A = vector.shape_cast %reduce_sum3A_5 : vector<2000xf32> to vector<2000x1xf32>
    %sqrt3A = math.sqrt %broadcast_in_dim3A : vector<2000x1xf32>
    %max3A = arith.constant 1.000000e-15 : f32
    %max3A_6 = vector.broadcast %max3A : f32 to vector<2000x1xf32>
    %max3A_7 = arith.maximumf %sqrt3A, %max3A_6 : vector<2000x1xf32>
    %tanh3A = math.tanh %max3A_7 : vector<2000x1xf32>
    %div3A = arith.divf %tanh3A, %max3A_7 : vector<2000x1xf32>
    %mul3A_8 = arith.mulf %div3A, %sqrt3A : vector<2000x1xf32>
    %gt3A = arith.constant 0.995999991 : f32
    %gt3A_9 = vector.broadcast %gt3A : f32 to vector<2000x1xf32>
    %gt3A_10 = arith.cmpf ogt, %mul3A_8, %gt3A_9 : vector<2000x1xf32>
    %max3A_11 = arith.constant 1.000000e-15 : f32
    %max3A_12 = vector.broadcast %max3A_11 : f32 to vector<2000x1xf32>
    %max3A_13 = arith.maximumf %mul3A_8, %max3A_12 : vector<2000x1xf32>
    %div3A_14 = arith.constant 0.995999991 : f32
    %div3A_15 = vector.broadcast %div3A_14 : f32 to vector<2000x1xf32>
    %div3A_16 = arith.divf %div3A_15, %max3A_13 : vector<2000x1xf32>
    %jit3A = arith.constant 1.000000e+00 : f32
    %broadcast_in_dim3A_17 = vector.broadcast %jit3A : f32 to vector<2000x1xf32>
    %select_n3A = arith.select %gt3A_10, %div3A_16, %broadcast_in_dim3A_17 : vector<2000x1xi1>, vector<2000x1xf32>
    %mul3A_18 = arith.mulf %div3A, %select_n3A : vector<2000x1xf32>
    %gt3A_19 = arith.constant 0.995999991 : f32
    %gt3A_20 = vector.broadcast %gt3A_19 : f32 to vector<2000x1xf32>
    %gt3A_21 = arith.cmpf ogt, %mul3A_8, %gt3A_20 : vector<2000x1xf32>
    %max3A_22 = arith.constant 1.000000e-15 : f32
    %max3A_23 = vector.broadcast %max3A_22 : f32 to vector<2000x1xf32>
    %max3A_24 = arith.maximumf %mul3A_8, %max3A_23 : vector<2000x1xf32>
    %div3A_25 = arith.constant 0.995999991 : f32
    %div3A_26 = vector.broadcast %div3A_25 : f32 to vector<2000x1xf32>
    %div3A_27 = arith.divf %div3A_26, %max3A_24 : vector<2000x1xf32>
    %jit3A_28 = arith.constant 1.000000e+00 : f32
    %broadcast_in_dim3A_29 = vector.broadcast %jit3A_28 : f32 to vector<2000x1xf32>
    %select_n3A_30 = arith.select %gt3A_21, %div3A_27, %broadcast_in_dim3A_29 : vector<2000x1xi1>, vector<2000x1xf32>
    %mul3A_31 = arith.mulf %mul3A_8, %select_n3A_30 : vector<2000x1xf32>
    %max3A_32 = arith.constant 1.000000e-15 : f32
    %max3A_33 = vector.broadcast %max3A_32 : f32 to vector<2000x1xf32>
    %max3A_34 = arith.maximumf %mul3A_31, %max3A_33 : vector<2000x1xf32>
    %jit3A_35 = arith.constant -0.99999988 : f32
    %jit3A_36 = arith.constant 0.99999988 : f32
    %max3A_37 = vector.broadcast %jit3A_35 : f32 to vector<2000x1xf32>
    %max3A_38 = arith.maximumf %max3A_37, %max3A_34 : vector<2000x1xf32>
    %min3A = vector.broadcast %jit3A_36 : f32 to vector<2000x1xf32>
    %min3A_39 = arith.minimumf %min3A, %max3A_38 : vector<2000x1xf32>
    %add3A = arith.constant 1.000000e+00 : f32
    %add3A_40 = vector.broadcast %add3A : f32 to vector<2000x1xf32>
    %add3A_41 = arith.addf %add3A_40, %min3A_39 : vector<2000x1xf32>
    %sub3A = arith.constant 1.000000e+00 : f32
    %sub3A_42 = vector.broadcast %sub3A : f32 to vector<2000x1xf32>
    %sub3A_43 = arith.subf %sub3A_42, %min3A_39 : vector<2000x1xf32>
    %div3A_44 = arith.divf %add3A_41, %sub3A_43 : vector<2000x1xf32>
    %log3A = math.log %div3A_44 : vector<2000x1xf32>
    %mul3A_45 = arith.constant 5.000000e-01 : f32
    %mul3A_46 = vector.broadcast %mul3A_45 : f32 to vector<2000x1xf32>
    %mul3A_47 = arith.mulf %mul3A_46, %log3A : vector<2000x1xf32>
    %div3A_48 = arith.divf %mul3A_47, %max3A_34 : vector<2000x1xf32>
    %mul3A_49 = arith.mulf %mul3A_18, %div3A_48 : vector<2000x1xf32>
    %max3A_50 = arith.constant 0.000000e+00 : f32
    %max3A_51 = vector.broadcast %max3A_50 : f32 to vector<2000x256xf32>
    %max3A_52 = arith.maximumf %concatenate3A, %max3A_51 : vector<2000x256xf32>
    %mul3A_53 = arith.mulf %max3A_52, %max3A_52 : vector<2000x256xf32>
    %reduce_sum3A_54 = arith.constant dense<0.000000e+00> : vector<2000xf32>
    %reduce_sum3A_55 = vector.multi_reduction <add>, %mul3A_53, %reduce_sum3A_54 [1] : vector<2000x256xf32> to vector<2000xf32>
    %broadcast_in_dim3A_56 = vector.shape_cast %reduce_sum3A_55 : vector<2000xf32> to vector<2000x1xf32>
    %sqrt3A_57 = math.sqrt %broadcast_in_dim3A_56 : vector<2000x1xf32>
    %mul3A_58 = arith.mulf %sqrt3A_57, %mul3A_49 : vector<2000x1xf32>
    %max3A_59 = arith.constant 1.000000e-15 : f32
    %max3A_60 = vector.broadcast %max3A_59 : f32 to vector<2000x1xf32>
    %max3A_61 = arith.maximumf %mul3A_58, %max3A_60 : vector<2000x1xf32>
    %tanh3A_62 = math.tanh %max3A_61 : vector<2000x1xf32>
    %div3A_63 = arith.divf %tanh3A_62, %max3A_61 : vector<2000x1xf32>
    %mul3A_64 = arith.mulf %div3A_63, %mul3A_58 : vector<2000x1xf32>
    %mul3A_65 = arith.mulf %mul3A_49, %div3A_63 : vector<2000x1xf32>
    %gt3A_66 = arith.constant 0.995999991 : f32
    %gt3A_67 = vector.broadcast %gt3A_66 : f32 to vector<2000x1xf32>
    %gt3A_68 = arith.cmpf ogt, %mul3A_64, %gt3A_67 : vector<2000x1xf32>
    %max3A_69 = arith.constant 1.000000e-15 : f32
    %max3A_70 = vector.broadcast %max3A_69 : f32 to vector<2000x1xf32>
    %max3A_71 = arith.maximumf %mul3A_64, %max3A_70 : vector<2000x1xf32>
    %div3A_72 = arith.constant 0.995999991 : f32
    %div3A_73 = vector.broadcast %div3A_72 : f32 to vector<2000x1xf32>
    %div3A_74 = arith.divf %div3A_73, %max3A_71 : vector<2000x1xf32>
    %jit3A_75 = arith.constant 1.000000e+00 : f32
    %broadcast_in_dim3A_76 = vector.broadcast %jit3A_75 : f32 to vector<2000x1xf32>
    %select_n3A_77 = arith.select %gt3A_68, %div3A_74, %broadcast_in_dim3A_76 : vector<2000x1xi1>, vector<2000x1xf32>
    %mul3A_78 = arith.mulf %mul3A_65, %select_n3A_77 : vector<2000x1xf32>
    %mul3A_79 = vector.broadcast %mul3A_78 : vector<2000x1xf32> to vector<2000x256xf32>
    %mul3A_80 = arith.mulf %max3A_52, %mul3A_79 : vector<2000x256xf32>
    %swap3A = arith.constant 0 : index
    %swap3A_81 = arith.constant 0 : index
    %swap3A_82 = vector.load %arg3[%swap3A, %swap3A_81] : memref<2000x256xf32, #tpu.memory_space<vmem>>, vector<2000x256xf32>
    tpu.vector_store %arg3[%swap3A, %swap3A_81], %mul3A_80 {strides = array<i32>} : memref<2000x256xf32, #tpu.memory_space<vmem>>, vector<2000x256xf32>,
    return
  }
  func.func @transform_0(%arg0: i32) -> (i32, i32) {
    %c0_i32 = arith.constant 0 : i32
    %c0_i32_0 = arith.constant 0 : i32
    return %arg0, %c0_i32 : i32, i32
  }
  func.func @transform_1(%arg0: i32) -> (i32, i32) {
    %add3A = arith.constant 5 : i32
    %add3A_0 = arith.addi %arg0, %add3A : i32
    %c0_i32 = arith.constant 0 : i32
    %c0_i32_1 = arith.constant 0 : i32
    return %add3A_0, %c0_i32 : i32, i32
  }
  func.func @transform_2(%arg0: i32) -> (i32, i32) {
    %c0_i32 = arith.constant 0 : i32
    %c0_i32_0 = arith.constant 0 : i32
    return %arg0, %c0_i32 : i32, i32
  }
}

</mosaic_0001>

<sc_bundles>
// kernel: kernel.5.cloned.1.call-start
scs
__scs_entry_jumppad:
0x0: {  	(pc) =	sbr.rel $0x88, $3  }
0x1: {  	(tag) =	ssettag $0x0;
	lr =	simm.s32 $0x1  }
0x2: {  	[smem:$0x3F9D] =	sst lr;
	_ =	strace $0xD0000000  }
0x3: {  	_ = 	snop  }
0x4: {  	_ = 	snop  }
0x5: {  	_ = 	snop  }
0x6: {  	_ = 	snop  }
0x7: {  	_ = 	snop  }
__scs_overlays_trampoline_lowered:
0x8: {  	[smem:$0x3FAC] =	sst s0  }
0x9: {  	[smem:$0x3FAD] =	sst s1  }
0xa: {  	[smem:$0x3FAE] =	sst s2  }
0xb: {  	[smem:$0x3FAF] =	sst s3  }
0xc: {  	[smem:$0x3FB0] =	sst s4  }
0xd: {  	[smem:$0x3FB1] =	sst s5  }
0xe: {  	[smem:$0x3FB2] =	sst s6  }
0xf: {  	[smem:$0x3FB3] =	sst s7  }
0x10: {  	[smem:$0x3FB4] =	sst s8  }
0x11: {  	[smem:$0x3FB5] =	sst s9;
	s0 =	simm.s32 @!p0 $0x0  }
0x12: {  	s1 =	sld [smem:$0x3F9B];
	s0 =	simm.s32 @p0 $0x1  }
0x13: {  	[smem:$0x3FB6] =	sst s0;
	s0 =	simm.s32 @!p1 $0x0  }
0x14: {  	s2 =	sld [smem:$0x3F9A];
	s0 =	simm.s32 @p1 $0x1  }
0x15: {  	[smem:$0x3FB7] =	sst s0;
	s0 =	simm.s32 @!p2 $0x0  }
0x16: {  	s3 =	sld [smem:$0x3FDB];
	s0 =	simm.s32 @p2 $0x1  }
0x17: {  	s4 =	simm.s32 $0x1BF5;
	[smem:$0x3FB9] =	sst s0  }
0x18: {  	s0 =	sld [smem:$0x3F9C];
	_ =	swait.ge [sflag:s4], $0x0  }
0x19: {  	s7 =	sld [smem:$0x3F9D]  }
0x1a: {  	s8 =	sadd.s32 $0xFFFFE003, lr  }
0x1b: {  	s9 =	sadd.s32 $0xFFFFFEF7, lr;
	s5 =	simm.s32 $0xFFFFFFFF;
	p2 =	slt.u32 s8, $0xFFFFF086  }
0x1c: {  	p1 =	slt.u32 s9, $0xF7A;
	s5 =	simm.s32 @!p2 $0x0  }
0x1d: {  	s5 =	simm.s32 @p1 $0x1;
	p0 =	seq.s32 s7, s2  }
0x1e: {  	s7 =	smul.u32 @!p0 $0xF7A, s2;
	p2 =	seq.s32 @!p0 s5, $0x0  }
0x1f: {  	s9 =	smul.u32 $0xF7A, s1;
	s8 =	simm.s32 @!p0 $0x1BF5;
	p2 =	por !p2, p0  }
0x20: {  	[sflag:s8] =	ssyncset.s32 @!p0 $0xFFFFF086;
	s6 =	sadd.s32 @!p0 s3, s7;
	s7 =	simm.s32 @!p0 $0x108  }
0x21: {  	s3 =	sadd.s32 s3, s9;
	s6 =	sadd.s32 @!p0 $0x88, s6;
	s7 =	simm.s32 @p2 $0x1082  }
0x22: {  	[simem:s7], [sflag:s8] =	dma.local @!p0 [hbm:s6], $0xF7A  }
0x23: {  	s9 =	sor.u32 $0xD0000000, s2;
	s6 =	simm.s32 $0x108;
	_ =	swait.ge @!p0 [sflag:s8], $0x0  }
0x24: {  	s3 =	sadd.s32 $0x88, s3;
	s6 =	simm.s32 @!p1 $0x1082;
	[sflag:s4] =	ssyncset.s32 $0xFFFFF086  }
0x25: {  	[simem:s6], [sflag:s4] =	dma.local [hbm:s3], $0xF7A  }
0x26: {  	[smem:$0x3F9D] =	sst s1;
	(tag) =	ssettag s2;
	_ =	strace s9  }
0x27: {  	s1 =	sld [smem:$0x3FAD]  }
0x28: {  	s2 =	sld [smem:$0x3FAE]  }
0x29: {  	s4 =	sld [smem:$0x3FB0]  }
0x2a: {  	p0 =	seq.s32 s5, $0x0;
	s5 =	sld [smem:$0x3FB1]  }
0x2b: {  	s6 =	sld [smem:$0x3FB2]  }
0x2c: {  	s7 =	sld [smem:$0x3FB3]  }
0x2d: {  	s3 =	simm.s32 $0x108;
	s8 =	sld [smem:$0x3FB4]  }
0x2e: {  	s3 =	simm.s32 @!p0 $0x1082;
	s9 =	sld [smem:$0x3FB5]  }
0x2f: {  	lr =	sadd.s32 s0, s3;
	s0 =	sld [smem:$0x3FAC]  }
0x30: {  	s3 =	sld [smem:$0x3FAF]  }
0x31: {  	[smem:$0x3FB8] =	sst s10  }
0x32: {  	s10 =	sld [smem:$0x3FB6];
	_ =	sdelay $0x3  }
0x33: {  	p0 =	seq.s32 s10, $0x1;
	s10 =	sld [smem:$0x3FB8];
	_ =	sdelay $0x3  }
0x34: {  	[smem:$0x3FB8] =	sst s10  }
0x35: {  	s10 =	sld [smem:$0x3FB7];
	_ =	sdelay $0x3  }
0x36: {  	p1 =	seq.s32 s10, $0x1;
	s10 =	sld [smem:$0x3FB8];
	_ =	sdelay $0x3  }
0x37: {  	[smem:$0x3FB8] =	sst s10  }
0x38: {  	s10 =	sld [smem:$0x3FB9]  }
0x39: {  	_ = 	snop;
	(pc) =	sbr.ind lr, $3  }
0x3a: {  	_ = 	snop  }
0x3b: {  	_ = 	snop  }
0x3c: {  	p2 =	seq.s32 s10, $0x1;
	s10 =	sld [smem:$0x3FB8]  }
0x3d: {  	_ =	shalt  }
0x3e: {  	_ =	shalt  }
0x3f: {  	_ =	shalt  }
0x40: {  	_ =	shalt  }
0x41: {  	_ =	shalt  }
0x42: {  	_ =	shalt  }
0x43: {  	_ =	shalt  }
0x44: {  	_ =	shalt  }
0x45: {  	_ =	shalt  }
0x46: {  	_ =	shalt  }
0x47: {  	_ =	shalt  }
0x48: {  	_ =	shalt  }
0x49: {  	_ =	shalt  }
0x4a: {  	_ =	shalt  }
0x4b: {  	_ =	shalt  }
0x4c: {  	_ =	shalt  }
0x4d: {  	_ =	shalt  }
0x4e: {  	_ =	shalt  }
0x4f: {  	_ =	shalt  }
0x50: {  	_ =	shalt  }
0x51: {  	_ =	shalt  }
0x52: {  	_ =	shalt  }
0x53: {  	_ =	shalt  }
0x54: {  	_ =	shalt  }
0x55: {  	_ =	shalt  }
0x56: {  	_ =	shalt  }
0x57: {  	_ =	shalt  }
0x58: {  	_ =	shalt  }
0x59: {  	_ =	shalt  }
0x5a: {  	_ =	shalt  }
0x5b: {  	_ =	shalt  }
0x5c: {  	_ =	shalt  }
0x5d: {  	_ =	shalt  }
0x5e: {  	_ =	shalt  }
0x5f: {  	_ =	shalt  }
0x60: {  	_ =	shalt  }
0x61: {  	_ =	shalt  }
0x62: {  	_ =	shalt  }
0x63: {  	_ =	shalt  }
0x64: {  	_ =	shalt  }
0x65: {  	_ =	shalt  }
0x66: {  	_ =	shalt  }
0x67: {  	_ =	shalt  }
0x68: {  	_ =	shalt  }
0x69: {  	_ =	shalt  }
0x6a: {  	_ =	shalt  }
0x6b: {  	_ =	shalt  }
0x6c: {  	_ =	shalt  }
0x6d: {  	_ =	shalt  }
0x6e: {  	_ =	shalt  }
0x6f: {  	_ =	shalt  }
0x70: {  	_ =	shalt  }
0x71: {  	_ =	shalt  }
0x72: {  	_ =	shalt  }
0x73: {  	_ =	shalt  }
0x74: {  	_ =	shalt  }
0x75: {  	_ =	shalt  }
0x76: {  	_ =	shalt  }
0x77: {  	_ =	shalt  }
0x78: {  	_ =	shalt  }
0x79: {  	_ =	shalt  }
0x7a: {  	_ =	shalt  }
0x7b: {  	_ =	shalt  }
0x7c: {  	_ =	shalt  }
0x7d: {  	_ =	shalt  }
0x7e: {  	_ =	shalt  }
0x7f: {  	_ =	shalt  }
0x80: {  	_ =	shalt  }
0x81: {  	_ =	shalt  }
0x82: {  	_ =	shalt  }
0x83: {  	_ =	shalt  }
0x84: {  	_ =	shalt  }
0x85: {  	_ =	shalt  }
0x86: {  	_ =	shalt  }
0x87: {  	_ =	shalt  }
.Lfunc_end0:
.L_simem_size_0:
called_computation_lowered:
.L_overlay_start_0:
0x88: {  	s2 =	sld [smem:$0x3FD9]  }
0x89: {  	s3 =	sld [smem:$0x3FFE];
	_ =	sdelay $0x1  }
0x8a: {  	s1 =	srdreg.scid  }
0x8b: {  	s0 =	sand.u32 $0x1, s1  }
0x8c: {  	s17 =	sshll.u32 s0, $0xA;
	s2 =	sadd.s32 s3, s2  }
0x8d: {  	s2 =	sadd.s32 s2, s17  }
0x8e: {  	[smem:$0x3FC4] =	sst s2  }
0x8f: {  	_ = 	snop  }
0x90: {  	s2 =	sld [smem:$0x3FD0];
	(tm) =	ssettm $0x1  }
0x91: {  	s18 =	sld [smem:$0x3FFB];
	_ =	sdelay $0x3  }
0x92: {  	_ =	strace s18  }
0x93: {  	s3 =	sld [smem:$0x3FFC];
	_ =	sdelay $0x3  }
0x94: {  	_ =	strace s3  }
0x95: {  	s3 =	sld [smem:$0x3FFD];
	_ =	sdelay $0x3  }
0x96: {  	_ =	strace s3  }
0x97: {  	_ =	strace $0x8FFFFFFF  }
0x98: {  	s19 =	sld [smem:$0x3FDB];
	_ =	sdelay $0x1  }
0x99: {  	s4 =	simm.s32 $_scs_section_size  }
0x9a: {  	s5 =	simm.s32 $_size__tile_overlayer_lowered;
	s6 =	simm.s32 $_tile_overlayer_lowered  }
0x9b: {  	s22 =	simm.s32 $0x1BFF;
	s21 =	sshll.u32 s6, $0x1;
	s3 =	sadd.s32 s4, s19  }
0x9c: {  	s7 =	simm.s32 $0x0;
	s20 =	sshll.u32 s5, $0x1;
	s5 =	sadd.s32 s21, s3  }
0x9d: {  	[timem:s7], [sflag:s22] =	dma.local [hbm:s5], s20  }
0x9e: {  	_ =	swait.ge [sflag:s22], s20  }
0x9f: {  	s4 =	ssub.s32 $0x0, s20;
	[sflag:s22] =	ssyncset.done $0x0  }
0xa0: {  	[sflag:s22] =	ssyncadd.s32 s4;
	_ =	sdelay $0x1  }
0xa1: {  	s23 =	simm.s32 $0x1B8B  }
0xa2: {  	_ =	swait.ge [sflag:s23], $0x1  }
0xa3: {  	[sflag:s23] =	ssyncset.done $0x0  }
0xa4: {  	s25 =	simm.s32 $0x1B8E;
	s24 =	sld [smem:$0x3FFE];
	[sflag:s23] =	ssyncadd.s32 $0xFFFFFFFF  }
0xa5: {  	s26 =	simm.s32 $execute0_lowered;
	[smem:$0x3FD2] =	sst s25  }
0xa6: {  	s5 =	sshll.u32 s26, $0x1;
	_ =	strace $0x80000046;
	[dreg:$0x1] =	wrdreg $0xFFFFFFFF  }
0xa7: {  	s28 =	simm.s32 $_size_execute0_lowered;
	s3 =	sadd.s32 s3, s5;
	[dreg:$0x0] =	wrdreg $0x0  }
0xa8: {  	s5 =	sshll.u32 s28, $0x1;
	[dreg:$0x2] =	wrdreg s3  }
0xa9: {  	[dreg:$0x3] =	wrdreg s5  }
0xaa: {  	[dreg:$0x4] =	wrdreg $0xC0  }
0xab: {  	_ =	task [dreg:s7], $0x5FFFF  }
0xac: {  	[dreg:$0x1] =	wrdreg $0xFFFFFFFF  }
0xad: {  	[dreg:$0x0] =	wrdreg $0x60  }
0xae: {  	[dreg:$0x2] =	wrdreg s2  }
0xaf: {  	[dreg:$0x3] =	wrdreg s24  }
0xb0: {  	[dreg:$0x4] =	wrdreg $0xA8000  }
0xb1: {  	[dreg:$0x5] =	wrdreg $0x9  }
0xb2: {  	_ =	task.clear_ibuf [dreg:s7], $0x6FFFF;
	_ =	strace $0x90000046  }
0xb3: {  	s29 =	simm.s32 $0x9;
	_ =	strace $0x80000048  }
0xb4: {  	_ =	swait.ge [sflag:s29], $0x1  }
0xb5: {  	[sflag:s29] =	ssyncadd.s32 $0xFFFFFFFF  }
0xb6: {  	_ =	strace $0x90000048  }
0xb7: {  	_ =	sfence  }
0xb8: {  	s30 =	sld [smem:$0x0];
	_ =	sdelay $0x2  }
0xb9: {  	s31 =	sshll.u32 s1, $0xD;
	s1 =	sshrl.u32 s1, $0x2  }
0xba: {  	s3 =	sand.u32 $0x4000, s31;
	s1 =	sadd.s32 s1, s30  }
0xbb: {  	s0 =	sor.u32 s3, s0;
	s1 =	sshll.u32 s1, $0x11  }
0xbc: {  	s0 =	sor.u32 s1, s0  }
0xbd: {  	s0 =	sadd.s32 $0x8F2B, s0  }
0xbe: {  	[sflag:s0] =	ssyncadd.remote.s32 $0x1  }
0xbf: {  	_ =	sfence.sel $0xFFFF  }
0xc0: {  	[dreg:$0x0] =	wrdreg $0xFFFFFFFF;
	(pc) =	sbr.abs _section_cstart, $3  }
0xc1: {  	[dreg:$0x1] =	wrdreg $0xFFFFFFFF  }
0xc2: {  	_ =	task.clear_ibuf [dreg:s7], $0x2FFFF;
	_ =	strace $0x9FFFFFFF  }
0xc3: {  	(tm) =	ssettm $0x7FFFFFFF  }
tec
execute0_lowered:
.L_overlay_start_1:
0x0: {  	(tag) =	ssettag $0x1  }
0x1: {  	s1 =	rddreg [dreg:$0x0]  }
0x2: {  	s6 =	rddreg [dreg:$0x1]  }
0x3: {  	s2 =	rddreg [dreg:$0x2];
	s3 =	simm.s32 $0x0;
	s4 =	srdreg.scid  }
0x4: {  	s0 =	stileid.u32;
	s20 =	simm.s32 $0x2800;
	s21 =	simm.s32 $0x6800  }
0x5: {  	s22 =	simm.s32 $0x2;
	s23 =	simm.s32 $0x1380;
	s28 =	simm.s32 $0x0  }
0x6: {  	[smem:$0x7FF] =	sst s3;
	s8 =	sand.u32 $0x1, s4;
	s11 =	smul.u32 $0x4F000, s0  }
0x7: {  	s9 =	sadd.s32 $0x1400, s6;
	s13 =	sadd.s32 $0xB400, s6;
	s26 =	smul.u32 $0x5000, s0  }
0x8: {  	s5 =	sadd.s32 $0x15400, s6;
	s12 =	sadd.s32 $0x17C00, s6;
	s29 =	smul.u32 $0x2780, s0  }
0x9: {  	s25 =	sshll.u32 s0, $0x6;
	s18 =	smul.u32 $0xA00, s0;
	_ =	strace $0x80000047  }
0xa: {  	s7 =	ssub.s32 $0x2, s8;
	p0 =	seq.s32 s8, $0x0;
	s15 =	smul.u32 $0x27100, s8  }
0xb: {  	s17 =	smul.u32 $0x138800, s8;
	s10 =	sshrl.u32 s7, $0x1;
	s24 =	sshrl.u32 s11, $0x2  }
0xc: {  	s13 =	smov.u32 @p0 s9;
	p0 =	seq.s32 s0, $0xF;
	s14 =	ssub.s32 s7, s10  }
0xd: {  	s6 =	sadd.s32 s24, s2;
	s7 =	sor.u32 $0x1C01, s25;
	s10 =	sshrl.u32 s26, $0x3  }
0xe: {  	s30 =	sadd.s32 s29, s15;
	s31 =	sshrl.u32 s17, $0x3;
	s25 =	sadd.s32 $0x128400, s2  }
0xf: {  	s17 =	simm.s32 $0x1400;
	s24 =	simm.s32 $0x2700;
	s26 =	simm.s32 $0x2780  }
0x10: {  	s16 =	sadd.s32 s9, s10;
	s19 =	sadd.s32 s13, s10;
	s10 =	sadd.s32 s12, s30  }
0x11: {  	s11 =	sadd.s32 s12, s31;
	s12 =	smax.u32 s14, $0x1;
	s13 =	sadd.s32 s13, s18  }
0x12: {  	s15 =	sshrl.u32 s6, $0x3;
	s18 =	simm.s32 $0x1;
	s25 =	sshrl.u32 @p0 s25, $0x3  }
0x13: {  	s8 =	sadd.s32 $0x500, s16;
	s9 =	sadd.s32 $0x780, s16;
	s11 =	sadd.s32 $0x25080, s11  }
0x14: {  	s14 =	sadd.s32 $0x280, s19;
	s16 =	simm.s32 $0x3;
	s19 =	simm.s32 $0x80  }
.LBB2_1:
0x15: {  	[spmem:s15], [sflag:s7] =	dma.local [hbm:s5], $0x2780  }
0x16: {  	[tilespmem:s3], [sflag:$0x3] =	stream.linear.gather [hbm4b:s13+s3], $0x1400, $0x38;
	[tilespmem:$0x1E400] =	vst v63  }
0x17: {  	_ =	swait.ge [sflag:s16], $0x1400  }
0x18: {  	[sflag:s16] =	ssyncset.done $0x0  }
0x19: {  	[sflag:s16] =	ssyncadd.s32 $0xFFFFEC00  }
0x1a: {  	[tilespmem:s17], [sflag:$0x3] =	stream.linear.gather [hbm4b:s8+s3], $0x1400, $0x38;
	[tilespmem:$0x1E400] =	vst v63  }
0x1b: {  	_ =	swait.ge [sflag:s16], $0x1400  }
0x1c: {  	[sflag:s16] =	ssyncset.done $0x0  }
0x1d: {  	[sflag:s16] =	ssyncadd.s32 $0xFFFFEC00  }
0x1e: {  	_ =	swait.ge [sflag:s18], $0x2780  }
0x1f: {  	[sflag:s18] =	ssyncset.done $0x0  }
0x20: {  	[sflag:s18] =	ssyncadd.s32 $0xFFFFD880  }
0x21: {  	[bflag:$0x0] =	sbarrier.arrive $0xFFFF  }
0x22: {  	[tilespmem:s20], [sflag:$0x1] =	stream.indirect.gather [hbm4b:s1+s19], $0x80, s3, s19, $0xb8;
	[tilespmem:$0x1E400] =	vst v63  }
0x23: {  	s29 =	simm.s32 $0x80  }
0x24: {  	[tilespmem:s21], [sflag:$0x2] =	stream.indirect.gather [hbm4b:s1+s19], $0x80, s29, s19, $0xb8;
	[tilespmem:$0x1E400] =	vst v63  }
0x25: {  	_ =	swait.ge [sflag:s18], $0x4000  }
0x26: {  	[sflag:s18] =	ssyncset.done $0x0  }
0x27: {  	s29 =	simm.s32 $0x1400;
	[sflag:s18] =	ssyncadd.s32 $0xFFFFC000  }
0x28: {  	[spmem:s2] =	stream.indirect.scatter.add.f32 [tilespmem:s20], [sflag:$0x3], $0x80, s29, s19, $0xb8;
	[tilespmem:$0x1E400] =	vst v63  }
0x29: {  	_ =	swait.ge [sflag:s16], $0x4000  }
0x2a: {  	[sflag:s16] =	ssyncset.done $0x0  }
0x2b: {  	s29 =	simm.s32 $0x100;
	[sflag:s16] =	ssyncadd.s32 $0xFFFFC000  }
0x2c: {  	[tilespmem:s20], [sflag:$0x1] =	stream.indirect.gather [hbm4b:s1+s19], $0x80, s29, s19, $0xb8;
	[tilespmem:$0x1E400] =	vst v63  }
0x2d: {  	_ =	swait.ge [sflag:s22], $0x4000  }
0x2e: {  	[sflag:s22] =	ssyncset.done $0x0  }
0x2f: {  	s29 =	simm.s32 $0x1480;
	[sflag:s22] =	ssyncadd.s32 $0xFFFFC000  }
0x30: {  	[spmem:s2] =	stream.indirect.scatter.add.f32 [tilespmem:s21], [sflag:$0x3], $0x80, s29, s19, $0xb8;
	[tilespmem:$0x1E400] =	vst v63  }
0x31: {  	_ =	swait.ge [sflag:s16], $0x4000  }
0x32: {  	s30 =	simm.s32 $0x800;
	s29 =	simm.s32 $0x100;
	[sflag:s16] =	ssyncset.done $0x0  }
.LBB2_2:
0x33: {  	s31 =	sadd.s32 $0x80, s29  }
0x34: {  	[sflag:s16] =	ssyncadd.s32 $0xFFFFC000;
	s0 =	smov.u32 s30;
	s4 =	sadd.s32 $0x400, s30  }
0x35: {  	[tilespmem:s21], [sflag:$0x2] =	stream.indirect.gather [hbm4b:s1+s19], $0x80, s31, s19, $0xb8;
	[tilespmem:$0x1E400] =	vst v63  }
0x36: {  	p1 =	sne.s32 s30, $0x4800;
	_ =	swait.ge [sflag:s18], $0x4000  }
0x37: {  	[sflag:s18] =	ssyncset.done $0x0  }
0x38: {  	s30 =	sadd.s32 $0x1400, s29;
	[sflag:s18] =	ssyncadd.s32 $0xFFFFC000  }
0x39: {  	[spmem:s2] =	stream.indirect.scatter.add.f32 [tilespmem:s20], [sflag:$0x3], $0x80, s30, s19, $0xb8;
	[tilespmem:$0x1E400] =	vst v63  }
0x3a: {  	_ =	swait.ge [sflag:s16], $0x4000  }
0x3b: {  	[sflag:s16] =	ssyncset.done $0x0  }
0x3c: {  	s30 =	sadd.s32 $0x100, s29;
	[sflag:s16] =	ssyncadd.s32 $0xFFFFC000  }
0x3d: {  	[tilespmem:s20], [sflag:$0x1] =	stream.indirect.gather [hbm4b:s1+s19], $0x80, s30, s19, $0xb8;
	[tilespmem:$0x1E400] =	vst v63  }
0x3e: {  	_ =	swait.ge [sflag:s22], $0x4000  }
.Ltmp0:
0x3f: {  	[sflag:s22] =	ssyncset.done $0x0;
	(pc) =	sbr.rel @p1 .LBB2_2-.Ltmp0, $4  }
0x40: {  	s29 =	sadd.s32 $0x1480, s29;
	[sflag:s22] =	ssyncadd.s32 $0xFFFFC000  }
0x41: {  	[spmem:s2] =	stream.indirect.scatter.add.f32 [tilespmem:s21], [sflag:$0x3], $0x80, s29, s19, $0xb8;
	[tilespmem:$0x1E400] =	vst v63  }
0x42: {  	_ =	swait.ge [sflag:s16], $0x4000  }
0x43: {  	s30 =	smov.u32 s4;
	s29 =	sshra.s32 s0, $0x2;
	[sflag:s16] =	ssyncset.done $0x0  }
0x44: {  	s0 =	sadd.s32 $0x80, s29;
	[sflag:s16] =	ssyncadd.s32 $0xFFFFC000  }
0x45: {  	[tilespmem:s21], [sflag:$0x2] =	stream.indirect.gather [hbm4b:s1+s19], $0x80, s0, s19, $0xb8;
	[tilespmem:$0x1E400] =	vst v63  }
0x46: {  	_ =	swait.ge [sflag:s18], $0x4000  }
0x47: {  	[sflag:s18] =	ssyncset.done $0x0  }
0x48: {  	s4 =	sadd.s32 $0x1400, s29;
	[sflag:s18] =	ssyncadd.s32 $0xFFFFC000  }
0x49: {  	[spmem:s2] =	stream.indirect.scatter.add.f32 [tilespmem:s20], [sflag:$0x3], $0x80, s4, s19, $0xb8;
	[tilespmem:$0x1E400] =	vst v63  }
0x4a: {  	_ =	swait.ge [sflag:s16], $0x4000  }
0x4b: {  	[sflag:s16] =	ssyncset.done $0x0  }
0x4c: {  	s31 =	sadd.s32 $0x100, s29;
	[sflag:s16] =	ssyncadd.s32 $0xFFFFC000  }
0x4d: {  	[tilespmem:s20], [sflag:$0x1] =	stream.indirect.gather [hbm4b:s1+s19], $0x80, s31, s19, $0xb8;
	[tilespmem:$0x1E400] =	vst v63  }
0x4e: {  	_ =	swait.ge [sflag:s22], $0x4000  }
0x4f: {  	[sflag:s22] =	ssyncset.done $0x0  }
0x50: {  	s4 =	sadd.s32 $0x1480, s29;
	[sflag:s22] =	ssyncadd.s32 $0xFFFFC000  }
0x51: {  	[spmem:s2] =	stream.indirect.scatter.add.f32 [tilespmem:s21], [sflag:$0x3], $0x80, s4, s19, $0xb8;
	[tilespmem:$0x1E400] =	vst v63  }
0x52: {  	_ =	swait.ge [sflag:s16], $0x4000  }
0x53: {  	[sflag:s16] =	ssyncset.done $0x0  }
0x54: {  	[sflag:s16] =	ssyncadd.s32 $0xFFFFC000  }
0x55: {  	[tilespmem:s21], [sflag:$0x2] =	stream.indirect.gather [hbm4b:s1+s19], $0x80, s23, s19, $0xb8;
	[tilespmem:$0x1E400] =	vst v63  }
0x56: {  	_ =	swait.ge [sflag:s18], $0x4000  }
0x57: {  	[sflag:s18] =	ssyncset.done $0x0  }
0x58: {  	[sflag:s18] =	ssyncadd.s32 $0xFFFFC000  }
0x59: {  	[spmem:s2] =	stream.indirect.scatter.add.f32 [tilespmem:s20], [sflag:$0x3], $0x80, s24, s19, $0xb8;
	[tilespmem:$0x1E400] =	vst v63  }
0x5a: {  	_ =	swait.ge [sflag:s16], $0x4000  }
0x5b: {  	[sflag:s16] =	ssyncset.done $0x0  }
0x5c: {  	[sflag:s16] =	ssyncadd.s32 $0xFFFFC000  }
0x5d: {  	_ =	swait.ge [sflag:s22], $0x4000  }
0x5e: {  	[sflag:s22] =	ssyncset.done $0x0  }
0x5f: {  	[sflag:s22] =	ssyncadd.s32 $0xFFFFC000  }
0x60: {  	[spmem:s2] =	stream.indirect.scatter.add.f32 [tilespmem:s21], [sflag:$0x3], $0x80, s26, s19, $0xb8;
	[tilespmem:$0x1E400] =	vst v63  }
0x61: {  	_ =	swait.ge [sflag:s16], $0x4000  }
0x62: {  	[sflag:s16] =	ssyncset.done $0x0  }
0x63: {  	s31 =	simm.s32 $0x0;
	[sflag:s16] =	ssyncadd.s32 $0xFFFFC000  }
0x64: {  	[tilespmem:s31], [sflag:$0x3] =	stream.linear.gather [hbm4b:s14+s31], $0x1400, $0x38;
	[tilespmem:$0x1E400] =	vst v63  }
0x65: {  	_ =	swait.ge [sflag:s16], $0x1400  }
0x66: {  	[sflag:s16] =	ssyncset.done $0x0  }
0x67: {  	[sflag:s16] =	ssyncadd.s32 $0xFFFFEC00  }
0x68: {  	[tilespmem:s17], [sflag:$0x3] =	stream.linear.gather [hbm4b:s9+s31], $0x1400, $0x38;
	[tilespmem:$0x1E400] =	vst v63  }
0x69: {  	_ =	swait.ge [sflag:s16], $0x1400  }
0x6a: {  	[sflag:s16] =	ssyncset.done $0x0  }
0x6b: {  	[sflag:s16] =	ssyncadd.s32 $0xFFFFEC00  }
0x6c: {  	[tilespmem:s20], [sflag:$0x1] =	stream.indirect.gather [hbm4b:s1+s19], $0x80, s31, s19, $0xb8;
	[tilespmem:$0x1E400] =	vst v63  }
0x6d: {  	s4 =	simm.s32 $0x80  }
0x6e: {  	[tilespmem:s21], [sflag:$0x2] =	stream.indirect.gather [hbm4b:s1+s19], $0x80, s4, s19, $0xb8;
	[tilespmem:$0x1E400] =	vst v63  }
0x6f: {  	_ =	swait.ge [sflag:s18], $0x4000  }
0x70: {  	[sflag:s18] =	ssyncset.done $0x0  }
0x71: {  	s31 =	simm.s32 $0x1400;
	[sflag:s18] =	ssyncadd.s32 $0xFFFFC000  }
0x72: {  	[spmem:s2] =	stream.indirect.scatter.add.f32 [tilespmem:s20], [sflag:$0x3], $0x80, s31, s19, $0xb8;
	[tilespmem:$0x1E400] =	vst v63  }
0x73: {  	_ =	swait.ge [sflag:s16], $0x4000  }
0x74: {  	[sflag:s16] =	ssyncset.done $0x0  }
0x75: {  	s4 =	simm.s32 $0x100;
	[sflag:s16] =	ssyncadd.s32 $0xFFFFC000  }
0x76: {  	[tilespmem:s20], [sflag:$0x1] =	stream.indirect.gather [hbm4b:s1+s19], $0x80, s4, s19, $0xb8;
	[tilespmem:$0x1E400] =	vst v63  }
0x77: {  	_ =	swait.ge [sflag:s22], $0x4000  }
0x78: {  	[sflag:s22] =	ssyncset.done $0x0  }
0x79: {  	s31 =	simm.s32 $0x1480;
	[sflag:s22] =	ssyncadd.s32 $0xFFFFC000  }
0x7a: {  	[spmem:s2] =	stream.indirect.scatter.add.f32 [tilespmem:s21], [sflag:$0x3], $0x80, s31, s19, $0xb8;
	[tilespmem:$0x1E400] =	vst v63  }
0x7b: {  	_ =	swait.ge [sflag:s16], $0x4000  }
0x7c: {  	s30 =	simm.s32 $0x800;
	s29 =	simm.s32 $0x100;
	[sflag:s16] =	ssyncset.done $0x0  }
.LBB2_4:
0x7d: {  	s0 =	sadd.s32 $0x80, s29  }
0x7e: {  	[sflag:s16] =	ssyncadd.s32 $0xFFFFC000;
	s4 =	smov.u32 s30;
	s31 =	sadd.s32 $0x400, s30  }
0x7f: {  	[tilespmem:s21], [sflag:$0x2] =	stream.indirect.gather [hbm4b:s1+s19], $0x80, s0, s19, $0xb8;
	[tilespmem:$0x1E400] =	vst v63  }
0x80: {  	p1 =	sne.s32 s30, $0x4800;
	_ =	swait.ge [sflag:s18], $0x4000  }
0x81: {  	[sflag:s18] =	ssyncset.done $0x0  }
0x82: {  	s0 =	sadd.s32 $0x1400, s29;
	[sflag:s18] =	ssyncadd.s32 $0xFFFFC000  }
0x83: {  	[spmem:s2] =	stream.indirect.scatter.add.f32 [tilespmem:s20], [sflag:$0x3], $0x80, s0, s19, $0xb8;
	[tilespmem:$0x1E400] =	vst v63  }
0x84: {  	_ =	swait.ge [sflag:s16], $0x4000  }
0x85: {  	[sflag:s16] =	ssyncset.done $0x0  }
0x86: {  	s0 =	sadd.s32 $0x100, s29;
	[sflag:s16] =	ssyncadd.s32 $0xFFFFC000  }
0x87: {  	[tilespmem:s20], [sflag:$0x1] =	stream.indirect.gather [hbm4b:s1+s19], $0x80, s0, s19, $0xb8;
	[tilespmem:$0x1E400] =	vst v63  }
0x88: {  	_ =	swait.ge [sflag:s22], $0x4000  }
.Ltmp1:
0x89: {  	[sflag:s22] =	ssyncset.done $0x0;
	(pc) =	sbr.rel @p1 .LBB2_4-.Ltmp1, $4  }
0x8a: {  	s0 =	sadd.s32 $0x1480, s29;
	[sflag:s22] =	ssyncadd.s32 $0xFFFFC000  }
0x8b: {  	[spmem:s2] =	stream.indirect.scatter.add.f32 [tilespmem:s21], [sflag:$0x3], $0x80, s0, s19, $0xb8;
	[tilespmem:$0x1E400] =	vst v63  }
0x8c: {  	_ =	swait.ge [sflag:s16], $0x4000  }
0x8d: {  	s30 =	smov.u32 s31;
	s29 =	sshra.s32 s4, $0x2;
	[sflag:s16] =	ssyncset.done $0x0  }
0x8e: {  	s0 =	sadd.s32 $0x80, s29;
	[sflag:s16] =	ssyncadd.s32 $0xFFFFC000  }
0x8f: {  	[tilespmem:s21], [sflag:$0x2] =	stream.indirect.gather [hbm4b:s1+s19], $0x80, s0, s19, $0xb8;
	[tilespmem:$0x1E400] =	vst v63  }
0x90: {  	_ =	swait.ge [sflag:s18], $0x4000  }
0x91: {  	[sflag:s18] =	ssyncset.done $0x0  }
0x92: {  	s4 =	sadd.s32 $0x1400, s29;
	[sflag:s18] =	ssyncadd.s32 $0xFFFFC000  }
0x93: {  	[spmem:s2] =	stream.indirect.scatter.add.f32 [tilespmem:s20], [sflag:$0x3], $0x80, s4, s19, $0xb8;
	[tilespmem:$0x1E400] =	vst v63  }
0x94: {  	_ =	swait.ge [sflag:s16], $0x4000  }
0x95: {  	[sflag:s16] =	ssyncset.done $0x0  }
0x96: {  	s30 =	sadd.s32 $0x100, s29;
	[sflag:s16] =	ssyncadd.s32 $0xFFFFC000  }
0x97: {  	[tilespmem:s20], [sflag:$0x1] =	stream.indirect.gather [hbm4b:s1+s19], $0x80, s30, s19, $0xb8;
	[tilespmem:$0x1E400] =	vst v63  }
0x98: {  	_ =	swait.ge [sflag:s22], $0x4000  }
0x99: {  	[sflag:s22] =	ssyncset.done $0x0  }
0x9a: {  	s31 =	sadd.s32 $0x1480, s29;
	[sflag:s22] =	ssyncadd.s32 $0xFFFFC000  }
0x9b: {  	[spmem:s2] =	stream.indirect.scatter.add.f32 [tilespmem:s21], [sflag:$0x3], $0x80, s31, s19, $0xb8;
	[tilespmem:$0x1E400] =	vst v63  }
0x9c: {  	_ =	swait.ge [sflag:s16], $0x4000  }
0x9d: {  	[sflag:s16] =	ssyncset.done $0x0  }
0x9e: {  	[sflag:s16] =	ssyncadd.s32 $0xFFFFC000  }
0x9f: {  	[tilespmem:s21], [sflag:$0x2] =	stream.indirect.gather [hbm4b:s1+s19], $0x80, s23, s19, $0xb8;
	[tilespmem:$0x1E400] =	vst v63  }
0xa0: {  	_ =	swait.ge [sflag:s18], $0x4000  }
0xa1: {  	[sflag:s18] =	ssyncset.done $0x0  }
0xa2: {  	[sflag:s18] =	ssyncadd.s32 $0xFFFFC000  }
0xa3: {  	[spmem:s2] =	stream.indirect.scatter.add.f32 [tilespmem:s20], [sflag:$0x3], $0x80, s24, s19, $0xb8;
	[tilespmem:$0x1E400] =	vst v63  }
0xa4: {  	_ =	swait.ge [sflag:s16], $0x4000  }
0xa5: {  	[sflag:s16] =	ssyncset.done $0x0  }
0xa6: {  	[sflag:s16] =	ssyncadd.s32 $0xFFFFC000  }
0xa7: {  	_ =	swait.ge [sflag:s22], $0x4000  }
0xa8: {  	[sflag:s22] =	ssyncset.done $0x0  }
0xa9: {  	[sflag:s22] =	ssyncadd.s32 $0xFFFFC000  }
0xaa: {  	[spmem:s2] =	stream.indirect.scatter.add.f32 [tilespmem:s21], [sflag:$0x3], $0x80, s26, s19, $0xb8;
	[tilespmem:$0x1E400] =	vst v63  }
0xab: {  	_ =	swait.ge [sflag:s16], $0x4000  }
0xac: {  	[sflag:s16] =	ssyncset.done $0x0  }
0xad: {  	[sflag:s16] =	ssyncadd.s32 $0xFFFFC000  }
0xae: {  	s0 =	simm.s32 @p0 $0x1FC3;
	[bflag:$0x0] =	sbarrier.arrive $0xFFFF  }
0xaf: {  	[hbm:s11], [sflag:s0] =	dma.local @p0 [spmem:s25], $0x2080  }
0xb0: {  	s0 =	simm.s32 @p0 $0x3  }
0xb1: {  	s28 =	sadd.s32 $0x1, s28;
	s4 =	stileid.u32;
	_ =	swait.ge @p0 [sflag:s0], $0x2080  }
0xb2: {  	p1 =	sne.s32 s28, s12;
	s4 =	sshll.u32 @!p0 s4, $0x6;
	[sflag:s0] =	ssyncset.done @p0 $0x0  }
0xb3: {  	[sflag:s0] =	ssyncadd.s32 @p0 $0xFFFFDF80;
	s0 =	sor.u32 @!p0 $0x1C03, s4;
	s4 =	sshrl.u32 @!p0 s6, $0x3  }
0xb4: {  	[hbm:s10], [sflag:s0] =	dma.local @!p0 [spmem:s4], $0x2780  }
.Ltmp2:
0xb5: {  	_ = 	snop;
	(pc) =	sbr.rel @p1 .LBB2_1-.Ltmp2, $4  }
0xb6: {  	s0 =	simm.s32 @!p0 $0x3  }
0xb7: {  	_ =	swait.ge @!p0 [sflag:s0], $0x2780  }
0xb8: {  	[sflag:s0] =	ssyncset.done @!p0 $0x0  }
0xb9: {  	[sflag:s0] =	ssyncadd.s32 @!p0 $0xFFFFD880  }
0xba: {  	_ =	sfence.sel $0x180000  }
0xbb: {  	[bflag:$0x0] =	sbarrier.arrive $0xFFFF  }
0xbc: {  	_ =	strace $0x90000047  }
0xbd: {  	s0 =	stileid.u32;
	[bflag:$0x2] =	sbarrier.arrive $0xFFFF  }
0xbe: {  	p0 =	sne.s32 s0, $0x0;
	s0 =	rddreg [dreg:$0x3]  }
0xbf: {  	s0 =	sadd.s32 @!p0 $0x100000, s0  }
0xc0: {  	[sflag:s0] =	ssyncadd.tile.s32 @!p0 $0x1;
	_ =	shalt  }
.Lfunc_end2:
_tile_overlayer_lowered:
.L_overlay_start_2:
0xc1: {  	(tag) =	ssettag $0x2  }
0xc2: {  	s0 =	rddreg [dreg:$0x0];
	s2 =	stileid.u32  }
0xc3: {  	s1 =	rddreg [dreg:$0x1];
	p0 =	sne.s32 s2, $0x0  }
0xc4: {  	s3 =	rddreg [dreg:$0x2];
	[bflag:$0x3] =	sbarrier.arrive $0xFFFF;
	s2 =	simm.s32 @!p0 $0x1C03  }
0xc5: {  	[timem:s3], [sflag:s2] =	dma.local @!p0 [hbm:s0], s1  }
0xc6: {  	s0 =	simm.s32 @!p0 $0x3  }
0xc7: {  	_ =	swait.ge @!p0 [sflag:s0], s1  }
0xc8: {  	s1 =	ssub.s32 @!p0 $0x0, s1;
	[sflag:s0] =	ssyncset.done @!p0 $0x0  }
0xc9: {  	[sflag:s0] =	ssyncadd.s32 @!p0 s1  }
0xca: {  	[bflag:$0x3] =	sbarrier.arrive $0xFFFF  }
0xcb: {  	_ =	shalt  }

</sc_bundles>
